<compile_context>
chip_gen: v7x
topology: tpu7x:2x2x1
jax: 0.10.2.dev20260603
libtpu: 0.0.44.dev20260713+nightly
codegen_flags: <defaults>
</compile_context>

<pallas_src>
import functools

import jax
import jax.numpy as jnp
from jax import lax
from jax.experimental import pallas as pl
from jax.experimental.pallas import tpu as pltpu
from jax.experimental.pallas import tpu_sc as plsc

NC = 2
NS = 16
NW = NC * NS
B = 128
SC_NC = 2


KI = 8
NBUF = 2


@functools.cache
def _make_sc_scatter(n_src, n_pad, d, e_pad, nc):
  nw = nc * NS
  epw = e_pad // nw
  spw = epw // B
  nblk = spw // KI
  rpt = n_pad // NS

  mesh = plsc.VectorSubcoreMesh(core_axis_name="c", subcore_axis_name="s",
                                num_cores=nc)

  @functools.partial(
      pl.kernel,
      out_type=jax.ShapeDtypeStruct((nc, n_pad, d), jnp.float32),
      mesh=mesh,
      scratch_types=[
          pltpu.VMEM((B,), jnp.int32),
          pltpu.VMEM((B,), jnp.int32),
          pltpu.VMEM((B, d), jnp.float32),
          pltpu.VMEM_SHARED((n_pad, d), jnp.float32),
          pltpu.SemaphoreType.DMA,
      ],
  )
  def sc_scatter(src_hbm, row_hbm, col_hbm, zeros_hbm, out_hbm,
                 rowv, colv, rows, acc, sem):
    c = lax.axis_index("c")
    s = lax.axis_index("s")
    wid = s * nc + c
    pltpu.sync_copy(zeros_hbm.at[pl.ds(s * rpt, rpt)],
                    acc.at[pl.ds(s * rpt, rpt)])
    plsc.subcore_barrier()

    base = wid * epw

    def body(i, carry):
      off = base + i * B
      pltpu.sync_copy(row_hbm.at[pl.ds(off, B)], rowv)
      pltpu.sync_copy(col_hbm.at[pl.ds(off, B)], colv)
      pltpu.async_copy(src_hbm.at[rowv], rows, sem).wait()
      pltpu.sync_copy(rows, acc.at[colv], add=True)
      return carry

    lax.fori_loop(0, spw, body, 0)
    plsc.subcore_barrier()
    pltpu.sync_copy(acc.at[pl.ds(s * rpt, rpt)],
                    out_hbm.at[c, pl.ds(s * rpt, rpt)])

  return sc_scatter


@functools.cache
def _make_sc_deg(n_pad, e_pad):
  epw = e_pad // NW
  spw = epw // B
  nblk = spw // KI
  mesh = plsc.VectorSubcoreMesh(core_axis_name="c", subcore_axis_name="s")

  @functools.partial(
      pl.kernel,
      out_type=jax.ShapeDtypeStruct((NW * n_pad,), jnp.float32),
      mesh=mesh,
      scratch_types=[
          pltpu.VMEM((KI * B,), jnp.int32),
          pltpu.VMEM((n_pad,), jnp.float32),
      ],
      compiler_params=pltpu.CompilerParams(needs_layout_passes=False),
  )
  def sc_deg(col_hbm, out_hbm, colb, deg_l):
    c = lax.axis_index("c")
    s = lax.axis_index("s")
    wid = s * NC + c
    zeros = jnp.zeros((16,), jnp.float32)

    def zbody(i, carry):
      deg_l[pl.ds(i * 16, 16)] = zeros
      return carry

    lax.fori_loop(0, n_pad // 16, zbody, 0)
    ones = jnp.ones((16,), jnp.float32)
    base = wid * epw

    def body(bi, carry):
      pltpu.sync_copy(col_hbm.at[pl.ds(base + bi * KI * B, KI * B)], colb)
      for k in range(KI):
        for j in range(B // 16):
          idx = colb[pl.ds(k * B + j * 16, 16)]
          plsc.addupdate_scatter(deg_l, [idx], ones)
      return carry

    lax.fori_loop(0, nblk, body, 0)
    pltpu.sync_copy(deg_l, out_hbm.at[pl.ds(wid * n_pad, n_pad)])

  return sc_deg


def _tc_prep_body(deg2d_ref, x_ref, w_ref, dis_ref, hn_ref):
  n = x_ref.shape[0]
  nw = deg2d_ref.shape[0]
  deg_col = lax.dot_general(
      deg2d_ref[...], jnp.ones((nw, 1), jnp.float32),
      (((0,), (0,)), ((), ())), preferred_element_type=jnp.float32)
  deg = deg_col[:n] + 1.0
  dis = lax.rsqrt(deg)
  dis_ref[...] = dis
  h = jnp.dot(x_ref[...], w_ref[...], preferred_element_type=jnp.float32)
  hn_ref[...] = h * dis


def _bn_relu(z, g, be, eps=1e-5):
  mean = jnp.mean(z, axis=0, keepdims=True)
  var = jnp.mean((z - mean) ** 2, axis=0, keepdims=True)
  zn = (z - mean) * lax.rsqrt(var + eps) * g + be
  return jnp.maximum(zn, 0.0)


def _acc_sum(acc_ref, n):
  tot = acc_ref[0, :n, :]
  for i in range(1, acc_ref.shape[0]):
    tot = tot + acc_ref[i, :n, :]
  return tot


def _tc_mid_body(acc_ref, hn_ref, dis_ref, b_ref, g_ref, be_ref, w_ref,
                 out_ref):
  n = hn_ref.shape[0]
  dis = dis_ref[...]
  z = dis * (_acc_sum(acc_ref, n) + hn_ref[...]) + b_ref[...]
  r = _bn_relu(z, g_ref[...], be_ref[...])
  h = jnp.dot(r, w_ref[...], preferred_element_type=jnp.float32)
  out_ref[...] = h * dis


def _tc_final_body(acc_ref, hn_ref, dis_ref, b_ref, g_ref, be_ref, batch_ref,
                   fw1_ref, fb1_ref, fw2_ref, fb2_ref, out_ref):
  n = hn_ref.shape[0]
  g_num = out_ref.shape[0]
  dis = dis_ref[...]
  z = dis * (_acc_sum(acc_ref, n) + hn_ref[...]) + b_ref[...]
  r = _bn_relu(z, g_ref[...], be_ref[...])
  gids = lax.broadcasted_iota(jnp.int32, (n, g_num), 1)
  mask = (batch_ref[...] == gids).astype(jnp.float32)
  dnum = (((0,), (0,)), ((), ()))
  sums = lax.dot_general(mask, r, dnum, preferred_element_type=jnp.float32)
  cnts = lax.dot_general(mask, jnp.ones((n, 1), jnp.float32), dnum,
                         preferred_element_type=jnp.float32)
  pooled = sums / jnp.maximum(cnts, 1.0)
  o1 = jnp.maximum(
      jnp.dot(pooled, fw1_ref[...], preferred_element_type=jnp.float32)
      + fb1_ref[...], 0.0)
  out_ref[...] = (
      jnp.dot(o1, fw2_ref[...], preferred_element_type=jnp.float32)
      + fb2_ref[...])


def kernel(x, edge_index, batch, W1, b1, W2, b2, W3, b3,
           g0, be0, g1, be1, g2, be2, fW1, fb1, fW2, fb2):
  n, d = x.shape
  e = edge_index.shape[1]
  g_num = 64
  o_dim = fW2.shape[1]

  n_pad = -(-(n + 1) // (NS * 8)) * (NS * 8)
  nw_sc = SC_NC * NS
  epw = -(-e // (nw_sc * KI * B)) * (KI * B)
  e_pad = epw * nw_sc

  row = edge_index[0].astype(jnp.int32)
  col = edge_index[1].astype(jnp.int32)
  pad = e_pad - e
  row_p = jnp.concatenate([row, jnp.zeros((pad,), jnp.int32)])
  col_p = jnp.concatenate([col, jnp.full((pad,), n, jnp.int32)])

  zeros_d = jnp.zeros((n_pad, d), jnp.float32)

  scd = _make_sc_scatter(n, n_pad, d, e_pad, SC_NC)

  deg_flat = _make_sc_deg(n_pad, e_pad)(col_p)
  deg2d = deg_flat.reshape(NW, n_pad)

  dis, hn1 = pl.pallas_call(
      _tc_prep_body,
      out_shape=(jax.ShapeDtypeStruct((n, 1), jnp.float32),
                 jax.ShapeDtypeStruct((n, d), jnp.float32)),
  )(deg2d, x, W1)

  acc1 = scd(hn1, row_p, col_p, zeros_d)

  mid = pl.pallas_call(
      _tc_mid_body,
      out_shape=jax.ShapeDtypeStruct((n, d), jnp.float32),
  )
  hn2 = mid(acc1, hn1, dis, b1, g0, be0, W2)
  acc2 = scd(hn2, row_p, col_p, zeros_d)
  hn3 = mid(acc2, hn2, dis, b2, g1, be1, W3)
  acc3 = scd(hn3, row_p, col_p, zeros_d)

  out = pl.pallas_call(
      _tc_final_body,
      out_shape=jax.ShapeDtypeStruct((g_num, o_dim), jnp.float32),
  )(acc3, hn3, dis, b3, g2, be2, batch.astype(jnp.int32).reshape(n, 1),
    fW1, fb1, fW2, fb2)
  return out

# --- scband reference (transcript-rebuilt; emitter-appended) ---
"""Pipeline reference for scband-gcn-34729105555796 (READ-ONLY COPY).

The authoritative reference and input builder live on the scoring server;
editing this copy changes nothing except your own understanding.
"""

import jax, jax.numpy as jnp
import numpy as np

N = 10000
E = 320000
D = 128
H = 128
O = 128
G = 64


def setup_inputs(seed: int = 0) -> dict:
    key = jax.random.key(seed)
    ks = jax.random.split(key, 24)
    inp = {}
    inp['x'] = jax.random.normal(ks[0], (N, D), dtype=jnp.float32)
    inp['edge_index'] = jax.random.randint(ks[1], (2, E), 0, N)
    inp['batch'] = jnp.sort(jax.random.randint(ks[2], (N,), 0, G))
    s = 0.05
    inp['W1'] = jax.random.normal(ks[3], (D, H), dtype=jnp.float32) * s
    inp['b1'] = jnp.zeros((H,), dtype=jnp.float32)
    inp['W2'] = jax.random.normal(ks[4], (H, H), dtype=jnp.float32) * s
    inp['b2'] = jnp.zeros((H,), dtype=jnp.float32)
    inp['W3'] = jax.random.normal(ks[5], (H, H), dtype=jnp.float32) * s
    inp['b3'] = jnp.zeros((H,), dtype=jnp.float32)
    inp['g0'] = jnp.ones((H,), dtype=jnp.float32)
    inp['be0'] = jnp.zeros((H,), dtype=jnp.float32)
    inp['g1'] = jnp.ones((H,), dtype=jnp.float32)
    inp['be1'] = jnp.zeros((H,), dtype=jnp.float32)
    inp['g2'] = jnp.ones((H,), dtype=jnp.float32)
    inp['be2'] = jnp.zeros((H,), dtype=jnp.float32)
    inp['fW1'] = jax.random.normal(ks[6], (H, H), dtype=jnp.float32) * s
    inp['fb1'] = jnp.zeros((H,), dtype=jnp.float32)
    inp['fW2'] = jax.random.normal(ks[7], (H, O), dtype=jnp.float32) * s
    inp['fb2'] = jnp.zeros((O,), dtype=jnp.float32)
    return inp


def gcn_conv(x, edge_index, W, b):
    n = x.shape[0]
    h = x @ W
    row = edge_index[0]
    col = edge_index[1]
    loop = jnp.arange(n)
    row = jnp.concatenate([row, loop])
    col = jnp.concatenate([col, loop])
    ew = jnp.ones(row.shape[0], dtype=h.dtype)
    deg = jnp.zeros((n,), dtype=h.dtype).at[col].add(ew)
    dis = jnp.where(deg > 0, deg ** -0.5, 0.0)
    norm = dis[row] * ew * dis[col]
    out = jnp.zeros_like(h).at[col].add(h[row] * norm[:, None])
    return out + b


def batch_norm(x, g, b, eps=1e-5):
    mean = x.mean(axis=0)
    var = ((x - mean) ** 2).mean(axis=0)
    return (x - mean) / jnp.sqrt(var + eps) * g + b


def reference(x, edge_index, batch, W1, b1, W2, b2, W3, b3, g0, be0, g1, be1, g2, be2, fW1, fb1, fW2, fb2):
    h = gcn_conv(x, edge_index, W1, b1)
    h = jax.nn.relu(batch_norm(h, g0, be0))
    h = gcn_conv(h, edge_index, W2, b2)
    h = jax.nn.relu(batch_norm(h, g1, be1))
    h = gcn_conv(h, edge_index, W3, b3)
    h = jax.nn.relu(batch_norm(h, g2, be2))
    sums = jax.ops.segment_sum(h, batch, num_segments=G)
    cnts = jax.ops.segment_sum(jnp.ones((h.shape[0],), dtype=h.dtype), batch, num_segments=G)
    pooled = sums / jnp.clip(cnts, 1.0)[:, None]
    out = jax.nn.relu(pooled @ fW1 + fb1)
    out = out @ fW2 + fb2
    return out

if __name__ == "__main__":
    import jax
    _d = setup_inputs()
    print(jax.jit(kernel)(*tuple(_d.values())))

</pallas_src>

<mosaic_0001>
#map = affine_map<(d0, d1) -> (0, 0)>
#map1 = affine_map<(d0, d1) -> (0)>
#map2 = affine_map<(d0, d1) -> (0, 0, 0)>
module attributes {stable_mosaic.version = 14 : i64} {
  func.func @sc_scatter(%arg0: i32, %arg1: i32, %arg2: memref<10000x128xf32, #tpu.memory_space<hbm>>, %arg3: memref<327680xi32, #tpu.memory_space<hbm>>, %arg4: memref<327680xi32, #tpu.memory_space<hbm>>, %arg5: memref<10112x128xf32, #tpu.memory_space<hbm>>, %arg6: memref<2x10112x128xf32, #tpu.memory_space<hbm>>, %arg7: memref<128xi32, #tpu.memory_space<vmem>>, %arg8: memref<128xi32, #tpu.memory_space<vmem>>, %arg9: memref<128x128xf32, #tpu.memory_space<vmem>>, %arg10: memref<10112x128xf32, #tpu.memory_space<vmem_shared>>, %arg11: memref<!tpu.dma_semaphore, #tpu.memory_space<semaphore_mem>>) attributes {dimension_semantics = [#tpu.dimension_semantics<core_parallel>, #tpu.dimension_semantics<subcore_parallel>], iteration_bounds = array<i64: 2, 16>, scalar_prefetch = 0 : i64, scratch_operands = 5 : i64, tpu.core_type = #tpu.core_type<sc_vector_subcore>, window_params = [{transform_indices = #map}, {transform_indices = #map1}, {transform_indices = #map1}, {transform_indices = #map}, {transform_indices = #map2}]} {
    %mul3A = arith.constant 2 : i32
    %mul3A_0 = arith.muli %arg1, %mul3A : i32
    %add3A = arith.addi %mul3A_0, %arg0 : i32
    %mul3A_1 = arith.constant 632 : i32
    %mul3A_2 = arith.muli %arg1, %mul3A_1 : i32
    %mul3A_3 = arith.constant 632 : i32
    %mul3A_4 = arith.muli %arg1, %mul3A_3 : i32
    "tpu.region"() ({
      %run_scoped3A = tpu.sem_alloc : memref<!tpu.dma_semaphore, #tpu.memory_space<semaphore_mem>>
      %dma_start3A = arith.constant 0 : i32
      %dma_start3A_17 = tpu.memref_slice %arg10[%mul3A_4, %dma_start3A] : memref<10112x128xf32, #tpu.memory_space<vmem_shared>> -> memref<632x128xf32, #tpu.memory_space<vmem_shared>>
      %dma_start3A_18 = arith.constant 0 : i32
      %dma_start3A_19 = tpu.memref_slice %arg5[%mul3A_2, %dma_start3A_18] : memref<10112x128xf32, #tpu.memory_space<hbm>> -> memref<632x128xf32, #tpu.memory_space<hbm>>
      tpu.enqueue_dma source(%dma_start3A_19 : memref<632x128xf32, #tpu.memory_space<hbm>>) target(%dma_start3A_17 : memref<632x128xf32, #tpu.memory_space<vmem_shared>>) target_semaphore(%run_scoped3A : memref<!tpu.dma_semaphore, #tpu.memory_space<semaphore_mem>>)
      %dma_wait3A = arith.constant 0 : i32
      %dma_wait3A_20 = tpu.memref_slice %arg10[%mul3A_4, %dma_wait3A] : memref<10112x128xf32, #tpu.memory_space<vmem_shared>> -> memref<632x128xf32, #tpu.memory_space<vmem_shared>>
      %dma_wait3A_21 = arith.constant 0 : i32
      %dma_wait3A_22 = tpu.memref_slice %arg5[%mul3A_2, %dma_wait3A_21] : memref<10112x128xf32, #tpu.memory_space<hbm>> -> memref<632x128xf32, #tpu.memory_space<hbm>>
      tpu.wait_dma2 semaphore(%run_scoped3A : memref<!tpu.dma_semaphore, #tpu.memory_space<semaphore_mem>>) src(%dma_wait3A_22 : memref<632x128xf32, #tpu.memory_space<hbm>>) dst(%dma_wait3A_20 : memref<632x128xf32, #tpu.memory_space<vmem_shared>>)
      tpu.yield
    }) : () -> ()
    %barrier3A = arith.constant 0 : index
    tpu.barrier barrier_id(%barrier3A)
    %mul3A_5 = arith.constant 10240 : i32
    %mul3A_6 = arith.muli %add3A, %mul3A_5 : i32
    %scan3A = arith.constant 0 : i32
    %scan3A_7 = arith.constant 0 : i32
    %scan3A_8 = arith.constant 80 : i32
    %scan3A_9 = arith.addi %scan3A_7, %scan3A_8 : i32
    %scan3A_10 = arith.constant 1 : i32
    scf.for %scan3A_17 = %scan3A_7 to %scan3A_9 step %scan3A_10  : i32 {
      %mul3A_18 = arith.constant 128 : i32
      %mul3A_19 = arith.muli %scan3A_17, %mul3A_18 : i32
      %add3A_20 = arith.addi %mul3A_6, %mul3A_19 : i32
      "tpu.region"() ({
        %run_scoped3A = tpu.sem_alloc : memref<!tpu.dma_semaphore, #tpu.memory_space<semaphore_mem>>
        %dma_start3A_25 = tpu.memref_slice %arg3[%add3A_20] : memref<327680xi32, #tpu.memory_space<hbm>> -> memref<128xi32, #tpu.memory_space<hbm>>
        %dma_start3A_26 = tpu.memref_slice %arg3[%add3A_20] : memref<327680xi32, #tpu.memory_space<hbm>> -> memref<128xi32, #tpu.memory_space<hbm>>
        tpu.enqueue_dma source(%dma_start3A_26 : memref<128xi32, #tpu.memory_space<hbm>>) target(%arg7 : memref<128xi32, #tpu.memory_space<vmem>>) target_semaphore(%run_scoped3A : memref<!tpu.dma_semaphore, #tpu.memory_space<semaphore_mem>>)
        %dma_wait3A_27 = tpu.memref_slice %arg3[%add3A_20] : memref<327680xi32, #tpu.memory_space<hbm>> -> memref<128xi32, #tpu.memory_space<hbm>>
        %dma_wait3A_28 = tpu.memref_slice %arg3[%add3A_20] : memref<327680xi32, #tpu.memory_space<hbm>> -> memref<128xi32, #tpu.memory_space<hbm>>
        tpu.wait_dma2 semaphore(%run_scoped3A : memref<!tpu.dma_semaphore, #tpu.memory_space<semaphore_mem>>) src(%dma_wait3A_28 : memref<128xi32, #tpu.memory_space<hbm>>) dst(%arg7 : memref<128xi32, #tpu.memory_space<vmem>>)
        tpu.yield
      }) : () -> ()
      "tpu.region"() ({
        %run_scoped3A = tpu.sem_alloc : memref<!tpu.dma_semaphore, #tpu.memory_space<semaphore_mem>>
        %dma_start3A_25 = tpu.memref_slice %arg4[%add3A_20] : memref<327680xi32, #tpu.memory_space<hbm>> -> memref<128xi32, #tpu.memory_space<hbm>>
        %dma_start3A_26 = tpu.memref_slice %arg4[%add3A_20] : memref<327680xi32, #tpu.memory_space<hbm>> -> memref<128xi32, #tpu.memory_space<hbm>>
        tpu.enqueue_dma source(%dma_start3A_26 : memref<128xi32, #tpu.memory_space<hbm>>) target(%arg8 : memref<128xi32, #tpu.memory_space<vmem>>) target_semaphore(%run_scoped3A : memref<!tpu.dma_semaphore, #tpu.memory_space<semaphore_mem>>)
        %dma_wait3A_27 = tpu.memref_slice %arg4[%add3A_20] : memref<327680xi32, #tpu.memory_space<hbm>> -> memref<128xi32, #tpu.memory_space<hbm>>
        %dma_wait3A_28 = tpu.memref_slice %arg4[%add3A_20] : memref<327680xi32, #tpu.memory_space<hbm>> -> memref<128xi32, #tpu.memory_space<hbm>>
        tpu.wait_dma2 semaphore(%run_scoped3A : memref<!tpu.dma_semaphore, #tpu.memory_space<semaphore_mem>>) src(%dma_wait3A_28 : memref<128xi32, #tpu.memory_space<hbm>>) dst(%arg8 : memref<128xi32, #tpu.memory_space<vmem>>)
        tpu.yield
      }) : () -> ()
      %dma_start3A = arith.constant 0 : i32
      %dma_start3A_21 = arith.constant 0 : i32
      %dma_start3A_22 = tpu.memref_slice %arg2[%dma_start3A, %dma_start3A_21] : memref<10000x128xf32, #tpu.memory_space<hbm>> -> memref<10000x128xf32, #tpu.memory_space<hbm>>
      tpu.enqueue_indirect_dma source(%dma_start3A_22 : memref<10000x128xf32, #tpu.memory_space<hbm>>) target(%arg9 : memref<128x128xf32, #tpu.memory_space<vmem>>) offsets(%arg7 : memref<128xi32, #tpu.memory_space<vmem>>) semaphore(%arg11 : memref<!tpu.dma_semaphore, #tpu.memory_space<semaphore_mem>>)
      %dma_wait3A = arith.constant 0 : i32
      %dma_wait3A_23 = arith.constant 0 : i32
      %dma_wait3A_24 = tpu.memref_slice %arg2[%dma_wait3A, %dma_wait3A_23] : memref<10000x128xf32, #tpu.memory_space<hbm>> -> memref<10000x128xf32, #tpu.memory_space<hbm>>
      tpu.wait_indirect_dma semaphore(%arg11 : memref<!tpu.dma_semaphore, #tpu.memory_space<semaphore_mem>>) src(%dma_wait3A_24 : memref<10000x128xf32, #tpu.memory_space<hbm>>) dst(%arg9 : memref<128x128xf32, #tpu.memory_space<vmem>>)
      "tpu.region"() ({
        %run_scoped3A = tpu.sem_alloc : memref<!tpu.dma_semaphore, #tpu.memory_space<semaphore_mem>>
        %dma_start3A_25 = arith.constant 0 : i32
        %dma_start3A_26 = arith.constant 0 : i32
        %dma_start3A_27 = tpu.memref_slice %arg10[%dma_start3A_25, %dma_start3A_26] : memref<10112x128xf32, #tpu.memory_space<vmem_shared>> -> memref<10112x128xf32, #tpu.memory_space<vmem_shared>>
        tpu.enqueue_indirect_dma source(%arg9 : memref<128x128xf32, #tpu.memory_space<vmem>>) target(%dma_start3A_27 : memref<10112x128xf32, #tpu.memory_space<vmem_shared>>) offsets(%arg8 : memref<128xi32, #tpu.memory_space<vmem>>) semaphore(%run_scoped3A : memref<!tpu.dma_semaphore, #tpu.memory_space<semaphore_mem>>) {add = true}
        %dma_wait3A_28 = arith.constant 0 : i32
        %dma_wait3A_29 = arith.constant 0 : i32
        %dma_wait3A_30 = tpu.memref_slice %arg10[%dma_wait3A_28, %dma_wait3A_29] : memref<10112x128xf32, #tpu.memory_space<vmem_shared>> -> memref<10112x128xf32, #tpu.memory_space<vmem_shared>>
        tpu.wait_indirect_dma semaphore(%run_scoped3A : memref<!tpu.dma_semaphore, #tpu.memory_space<semaphore_mem>>) src(%arg9 : memref<128x128xf32, #tpu.memory_space<vmem>>) dst(%dma_wait3A_30 : memref<10112x128xf32, #tpu.memory_space<vmem_shared>>)
        tpu.yield
      }) : () -> ()
    }
    %scan3A_11 = arith.constant 80 : i32
    %barrier3A_12 = arith.constant 0 : index
    tpu.barrier barrier_id(%barrier3A_12)
    %mul3A_13 = arith.constant 632 : i32
    %mul3A_14 = arith.muli %arg1, %mul3A_13 : i32
    %mul3A_15 = arith.constant 632 : i32
    %mul3A_16 = arith.muli %arg1, %mul3A_15 : i32
    "tpu.region"() ({
      %run_scoped3A = tpu.sem_alloc : memref<!tpu.dma_semaphore, #tpu.memory_space<semaphore_mem>>
      %dma_start3A = arith.constant 0 : i32
      %dma_start3A_17 = tpu.memref_slice %arg6[%arg0, %mul3A_16, %dma_start3A] : memref<2x10112x128xf32, #tpu.memory_space<hbm>> -> memref<1x632x128xf32, #tpu.memory_space<hbm>>
      %dma_start3A_18 = tpu.memref_squeeze %dma_start3A_17 : memref<1x632x128xf32, #tpu.memory_space<hbm>> -> memref<632x128xf32, #tpu.memory_space<hbm>>
      %dma_start3A_19 = arith.constant 0 : i32
      %dma_start3A_20 = tpu.memref_slice %arg10[%mul3A_14, %dma_start3A_19] : memref<10112x128xf32, #tpu.memory_space<vmem_shared>> -> memref<632x128xf32, #tpu.memory_space<vmem_shared>>
      tpu.enqueue_dma source(%dma_start3A_20 : memref<632x128xf32, #tpu.memory_space<vmem_shared>>) target(%dma_start3A_18 : memref<632x128xf32, #tpu.memory_space<hbm>>) target_semaphore(%run_scoped3A : memref<!tpu.dma_semaphore, #tpu.memory_space<semaphore_mem>>)
      %dma_wait3A = arith.constant 0 : i32
      %dma_wait3A_21 = tpu.memref_slice %arg6[%arg0, %mul3A_16, %dma_wait3A] : memref<2x10112x128xf32, #tpu.memory_space<hbm>> -> memref<1x632x128xf32, #tpu.memory_space<hbm>>
      %dma_wait3A_22 = tpu.memref_squeeze %dma_wait3A_21 : memref<1x632x128xf32, #tpu.memory_space<hbm>> -> memref<632x128xf32, #tpu.memory_space<hbm>>
      %dma_wait3A_23 = arith.constant 0 : i32
      %dma_wait3A_24 = tpu.memref_slice %arg10[%mul3A_14, %dma_wait3A_23] : memref<10112x128xf32, #tpu.memory_space<vmem_shared>> -> memref<632x128xf32, #tpu.memory_space<vmem_shared>>
      tpu.wait_dma2 semaphore(%run_scoped3A : memref<!tpu.dma_semaphore, #tpu.memory_space<semaphore_mem>>) src(%dma_wait3A_24 : memref<632x128xf32, #tpu.memory_space<vmem_shared>>) dst(%dma_wait3A_22 : memref<632x128xf32, #tpu.memory_space<hbm>>)
      tpu.yield
    }) : () -> ()
    return
  }
}

#map = affine_map<(d0, d1) -> (0, 0)>
#map1 = affine_map<(d0, d1) -> (0)>
#map2 = affine_map<(d0, d1) -> (0, 0, 0)>
module attributes {stable_mosaic.version = 14 : i64} {
  func.func @sc_scatter(%arg0: i32, %arg1: i32, %arg2: memref<10000x128xf32, #tpu.memory_space<hbm>>, %arg3: memref<327680xi32, #tpu.memory_space<hbm>>, %arg4: memref<327680xi32, #tpu.memory_space<hbm>>, %arg5: memref<10112x128xf32, #tpu.memory_space<hbm>>, %arg6: memref<2x10112x128xf32, #tpu.memory_space<hbm>>, %arg7: memref<128xi32, #tpu.memory_space<vmem>>, %arg8: memref<128xi32, #tpu.memory_space<vmem>>, %arg9: memref<128x128xf32, #tpu.memory_space<vmem>>, %arg10: memref<10112x128xf32, #tpu.memory_space<vmem_shared>>, %arg11: memref<!tpu.dma_semaphore, #tpu.memory_space<semaphore_mem>>) attributes {dimension_semantics = [#tpu.dimension_semantics<core_parallel>, #tpu.dimension_semantics<subcore_parallel>], iteration_bounds = array<i64: 2, 16>, scalar_prefetch = 0 : i64, scratch_operands = 5 : i64, tpu.core_type = #tpu.core_type<sc_vector_subcore>, window_params = [{transform_indices = #map}, {transform_indices = #map1}, {transform_indices = #map1}, {transform_indices = #map}, {transform_indices = #map2}]} {
    %mul3A = arith.constant 2 : i32
    %mul3A_0 = arith.muli %arg1, %mul3A : i32
    %add3A = arith.addi %mul3A_0, %arg0 : i32
    %mul3A_1 = arith.constant 632 : i32
    %mul3A_2 = arith.muli %arg1, %mul3A_1 : i32
    %mul3A_3 = arith.constant 632 : i32
    %mul3A_4 = arith.muli %arg1, %mul3A_3 : i32
    "tpu.region"() ({
      %run_scoped3A = tpu.sem_alloc : memref<!tpu.dma_semaphore, #tpu.memory_space<semaphore_mem>>
      %dma_start3A = arith.constant 0 : i32
      %dma_start3A_17 = tpu.memref_slice %arg10[%mul3A_4, %dma_start3A] : memref<10112x128xf32, #tpu.memory_space<vmem_shared>> -> memref<632x128xf32, #tpu.memory_space<vmem_shared>>
      %dma_start3A_18 = arith.constant 0 : i32
      %dma_start3A_19 = tpu.memref_slice %arg5[%mul3A_2, %dma_start3A_18] : memref<10112x128xf32, #tpu.memory_space<hbm>> -> memref<632x128xf32, #tpu.memory_space<hbm>>
      tpu.enqueue_dma source(%dma_start3A_19 : memref<632x128xf32, #tpu.memory_space<hbm>>) target(%dma_start3A_17 : memref<632x128xf32, #tpu.memory_space<vmem_shared>>) target_semaphore(%run_scoped3A : memref<!tpu.dma_semaphore, #tpu.memory_space<semaphore_mem>>)
      %dma_wait3A = arith.constant 0 : i32
      %dma_wait3A_20 = tpu.memref_slice %arg10[%mul3A_4, %dma_wait3A] : memref<10112x128xf32, #tpu.memory_space<vmem_shared>> -> memref<632x128xf32, #tpu.memory_space<vmem_shared>>
      %dma_wait3A_21 = arith.constant 0 : i32
      %dma_wait3A_22 = tpu.memref_slice %arg5[%mul3A_2, %dma_wait3A_21] : memref<10112x128xf32, #tpu.memory_space<hbm>> -> memref<632x128xf32, #tpu.memory_space<hbm>>
      tpu.wait_dma2 semaphore(%run_scoped3A : memref<!tpu.dma_semaphore, #tpu.memory_space<semaphore_mem>>) src(%dma_wait3A_22 : memref<632x128xf32, #tpu.memory_space<hbm>>) dst(%dma_wait3A_20 : memref<632x128xf32, #tpu.memory_space<vmem_shared>>)
      tpu.yield
    }) : () -> ()
    %barrier3A = arith.constant 0 : index
    tpu.barrier barrier_id(%barrier3A)
    %mul3A_5 = arith.constant 10240 : i32
    %mul3A_6 = arith.muli %add3A, %mul3A_5 : i32
    %scan3A = arith.constant 0 : i32
    %scan3A_7 = arith.constant 0 : i32
    %scan3A_8 = arith.constant 80 : i32
    %scan3A_9 = arith.addi %scan3A_7, %scan3A_8 : i32
    %scan3A_10 = arith.constant 1 : i32
    scf.for %scan3A_17 = %scan3A_7 to %scan3A_9 step %scan3A_10  : i32 {
      %mul3A_18 = arith.constant 128 : i32
      %mul3A_19 = arith.muli %scan3A_17, %mul3A_18 : i32
      %add3A_20 = arith.addi %mul3A_6, %mul3A_19 : i32
      "tpu.region"() ({
        %run_scoped3A = tpu.sem_alloc : memref<!tpu.dma_semaphore, #tpu.memory_space<semaphore_mem>>
        %dma_start3A_25 = tpu.memref_slice %arg3[%add3A_20] : memref<327680xi32, #tpu.memory_space<hbm>> -> memref<128xi32, #tpu.memory_space<hbm>>
        %dma_start3A_26 = tpu.memref_slice %arg3[%add3A_20] : memref<327680xi32, #tpu.memory_space<hbm>> -> memref<128xi32, #tpu.memory_space<hbm>>
        tpu.enqueue_dma source(%dma_start3A_26 : memref<128xi32, #tpu.memory_space<hbm>>) target(%arg7 : memref<128xi32, #tpu.memory_space<vmem>>) target_semaphore(%run_scoped3A : memref<!tpu.dma_semaphore, #tpu.memory_space<semaphore_mem>>)
        %dma_wait3A_27 = tpu.memref_slice %arg3[%add3A_20] : memref<327680xi32, #tpu.memory_space<hbm>> -> memref<128xi32, #tpu.memory_space<hbm>>
        %dma_wait3A_28 = tpu.memref_slice %arg3[%add3A_20] : memref<327680xi32, #tpu.memory_space<hbm>> -> memref<128xi32, #tpu.memory_space<hbm>>
        tpu.wait_dma2 semaphore(%run_scoped3A : memref<!tpu.dma_semaphore, #tpu.memory_space<semaphore_mem>>) src(%dma_wait3A_28 : memref<128xi32, #tpu.memory_space<hbm>>) dst(%arg7 : memref<128xi32, #tpu.memory_space<vmem>>)
        tpu.yield
      }) : () -> ()
      "tpu.region"() ({
        %run_scoped3A = tpu.sem_alloc : memref<!tpu.dma_semaphore, #tpu.memory_space<semaphore_mem>>
        %dma_start3A_25 = tpu.memref_slice %arg4[%add3A_20] : memref<327680xi32, #tpu.memory_space<hbm>> -> memref<128xi32, #tpu.memory_space<hbm>>
        %dma_start3A_26 = tpu.memref_slice %arg4[%add3A_20] : memref<327680xi32, #tpu.memory_space<hbm>> -> memref<128xi32, #tpu.memory_space<hbm>>
        tpu.enqueue_dma source(%dma_start3A_26 : memref<128xi32, #tpu.memory_space<hbm>>) target(%arg8 : memref<128xi32, #tpu.memory_space<vmem>>) target_semaphore(%run_scoped3A : memref<!tpu.dma_semaphore, #tpu.memory_space<semaphore_mem>>)
        %dma_wait3A_27 = tpu.memref_slice %arg4[%add3A_20] : memref<327680xi32, #tpu.memory_space<hbm>> -> memref<128xi32, #tpu.memory_space<hbm>>
        %dma_wait3A_28 = tpu.memref_slice %arg4[%add3A_20] : memref<327680xi32, #tpu.memory_space<hbm>> -> memref<128xi32, #tpu.memory_space<hbm>>
        tpu.wait_dma2 semaphore(%run_scoped3A : memref<!tpu.dma_semaphore, #tpu.memory_space<semaphore_mem>>) src(%dma_wait3A_28 : memref<128xi32, #tpu.memory_space<hbm>>) dst(%arg8 : memref<128xi32, #tpu.memory_space<vmem>>)
        tpu.yield
      }) : () -> ()
      %dma_start3A = arith.constant 0 : i32
      %dma_start3A_21 = arith.constant 0 : i32
      %dma_start3A_22 = tpu.memref_slice %arg2[%dma_start3A, %dma_start3A_21] : memref<10000x128xf32, #tpu.memory_space<hbm>> -> memref<10000x128xf32, #tpu.memory_space<hbm>>
      tpu.enqueue_indirect_dma source(%dma_start3A_22 : memref<10000x128xf32, #tpu.memory_space<hbm>>) target(%arg9 : memref<128x128xf32, #tpu.memory_space<vmem>>) offsets(%arg7 : memref<128xi32, #tpu.memory_space<vmem>>) semaphore(%arg11 : memref<!tpu.dma_semaphore, #tpu.memory_space<semaphore_mem>>)
      %dma_wait3A = arith.constant 0 : i32
      %dma_wait3A_23 = arith.constant 0 : i32
      %dma_wait3A_24 = tpu.memref_slice %arg2[%dma_wait3A, %dma_wait3A_23] : memref<10000x128xf32, #tpu.memory_space<hbm>> -> memref<10000x128xf32, #tpu.memory_space<hbm>>
      tpu.wait_indirect_dma semaphore(%arg11 : memref<!tpu.dma_semaphore, #tpu.memory_space<semaphore_mem>>) src(%dma_wait3A_24 : memref<10000x128xf32, #tpu.memory_space<hbm>>) dst(%arg9 : memref<128x128xf32, #tpu.memory_space<vmem>>)
      "tpu.region"() ({
        %run_scoped3A = tpu.sem_alloc : memref<!tpu.dma_semaphore, #tpu.memory_space<semaphore_mem>>
        %dma_start3A_25 = arith.constant 0 : i32
        %dma_start3A_26 = arith.constant 0 : i32
        %dma_start3A_27 = tpu.memref_slice %arg10[%dma_start3A_25, %dma_start3A_26] : memref<10112x128xf32, #tpu.memory_space<vmem_shared>> -> memref<10112x128xf32, #tpu.memory_space<vmem_shared>>
        tpu.enqueue_indirect_dma source(%arg9 : memref<128x128xf32, #tpu.memory_space<vmem>>) target(%dma_start3A_27 : memref<10112x128xf32, #tpu.memory_space<vmem_shared>>) offsets(%arg8 : memref<128xi32, #tpu.memory_space<vmem>>) semaphore(%run_scoped3A : memref<!tpu.dma_semaphore, #tpu.memory_space<semaphore_mem>>) {add = true}
        %dma_wait3A_28 = arith.constant 0 : i32
        %dma_wait3A_29 = arith.constant 0 : i32
        %dma_wait3A_30 = tpu.memref_slice %arg10[%dma_wait3A_28, %dma_wait3A_29] : memref<10112x128xf32, #tpu.memory_space<vmem_shared>> -> memref<10112x128xf32, #tpu.memory_space<vmem_shared>>
        tpu.wait_indirect_dma semaphore(%run_scoped3A : memref<!tpu.dma_semaphore, #tpu.memory_space<semaphore_mem>>) src(%arg9 : memref<128x128xf32, #tpu.memory_space<vmem>>) dst(%dma_wait3A_30 : memref<10112x128xf32, #tpu.memory_space<vmem_shared>>)
        tpu.yield
      }) : () -> ()
    }
    %scan3A_11 = arith.constant 80 : i32
    %barrier3A_12 = arith.constant 0 : index
    tpu.barrier barrier_id(%barrier3A_12)
    %mul3A_13 = arith.constant 632 : i32
    %mul3A_14 = arith.muli %arg1, %mul3A_13 : i32
    %mul3A_15 = arith.constant 632 : i32
    %mul3A_16 = arith.muli %arg1, %mul3A_15 : i32
    "tpu.region"() ({
      %run_scoped3A = tpu.sem_alloc : memref<!tpu.dma_semaphore, #tpu.memory_space<semaphore_mem>>
      %dma_start3A = arith.constant 0 : i32
      %dma_start3A_17 = tpu.memref_slice %arg6[%arg0, %mul3A_16, %dma_start3A] : memref<2x10112x128xf32, #tpu.memory_space<hbm>> -> memref<1x632x128xf32, #tpu.memory_space<hbm>>
      %dma_start3A_18 = tpu.memref_squeeze %dma_start3A_17 : memref<1x632x128xf32, #tpu.memory_space<hbm>> -> memref<632x128xf32, #tpu.memory_space<hbm>>
      %dma_start3A_19 = arith.constant 0 : i32
      %dma_start3A_20 = tpu.memref_slice %arg10[%mul3A_14, %dma_start3A_19] : memref<10112x128xf32, #tpu.memory_space<vmem_shared>> -> memref<632x128xf32, #tpu.memory_space<vmem_shared>>
      tpu.enqueue_dma source(%dma_start3A_20 : memref<632x128xf32, #tpu.memory_space<vmem_shared>>) target(%dma_start3A_18 : memref<632x128xf32, #tpu.memory_space<hbm>>) target_semaphore(%run_scoped3A : memref<!tpu.dma_semaphore, #tpu.memory_space<semaphore_mem>>)
      %dma_wait3A = arith.constant 0 : i32
      %dma_wait3A_21 = tpu.memref_slice %arg6[%arg0, %mul3A_16, %dma_wait3A] : memref<2x10112x128xf32, #tpu.memory_space<hbm>> -> memref<1x632x128xf32, #tpu.memory_space<hbm>>
      %dma_wait3A_22 = tpu.memref_squeeze %dma_wait3A_21 : memref<1x632x128xf32, #tpu.memory_space<hbm>> -> memref<632x128xf32, #tpu.memory_space<hbm>>
      %dma_wait3A_23 = arith.constant 0 : i32
      %dma_wait3A_24 = tpu.memref_slice %arg10[%mul3A_14, %dma_wait3A_23] : memref<10112x128xf32, #tpu.memory_space<vmem_shared>> -> memref<632x128xf32, #tpu.memory_space<vmem_shared>>
      tpu.wait_dma2 semaphore(%run_scoped3A : memref<!tpu.dma_semaphore, #tpu.memory_space<semaphore_mem>>) src(%dma_wait3A_24 : memref<632x128xf32, #tpu.memory_space<vmem_shared>>) dst(%dma_wait3A_22 : memref<632x128xf32, #tpu.memory_space<hbm>>)
      tpu.yield
    }) : () -> ()
    return
  }
}

#map = affine_map<(d0, d1) -> (0)>
module attributes {stable_mosaic.version = 14 : i64} {
  func.func @sc_deg(%arg0: i32, %arg1: i32, %arg2: memref<327680xi32, #tpu.memory_space<hbm>>, %arg3: memref<323584xf32, #tpu.memory_space<hbm>>, %arg4: memref<1024xi32, #tpu.memory_space<vmem>>, %arg5: memref<10112xf32, #tpu.memory_space<vmem>>) attributes {dimension_semantics = [#tpu.dimension_semantics<core_parallel>, #tpu.dimension_semantics<subcore_parallel>], iteration_bounds = array<i64: 2, 16>, scalar_prefetch = 0 : i64, scratch_operands = 2 : i64, tpu.core_type = #tpu.core_type<sc_vector_subcore>, window_params = [{transform_indices = #map}, {transform_indices = #map}]} {
    %mul3A = arith.constant 2 : i32
    %mul3A_0 = arith.muli %arg1, %mul3A : i32
    %add3A = arith.addi %mul3A_0, %arg0 : i32
    %broadcast_in_dim3A = arith.constant 0.000000e+00 : f32
    %broadcast_in_dim3A_1 = vector.broadcast %broadcast_in_dim3A : f32 to vector<16xf32>
    %scan3A = arith.constant 0 : i32
    %scan3A_2 = arith.constant 0 : i32
    %scan3A_3 = arith.constant 632 : i32
    %scan3A_4 = arith.addi %scan3A_2, %scan3A_3 : i32
    %scan3A_5 = arith.constant 1 : i32
    scf.for %scan3A_19 = %scan3A_2 to %scan3A_4 step %scan3A_5  : i32 {
      %mul3A_20 = arith.constant 16 : i32
      %mul3A_21 = arith.muli %scan3A_19, %mul3A_20 : i32
      %swap3A = arith.index_cast %mul3A_21 : i32 to index
      %swap3A_22 = tpu.vector_load %arg5[%swap3A] {strides = array<i32>} : memref<10112xf32, #tpu.memory_space<vmem>>, vector<16xf32>,
      tpu.vector_store %arg5[%swap3A], %broadcast_in_dim3A_1 {strides = array<i32>} : memref<10112xf32, #tpu.memory_space<vmem>>, vector<16xf32>,
    }
    %scan3A_6 = arith.constant 632 : i32
    %broadcast_in_dim3A_7 = arith.constant 1.000000e+00 : f32
    %broadcast_in_dim3A_8 = vector.broadcast %broadcast_in_dim3A_7 : f32 to vector<16xf32>
    %mul3A_9 = arith.constant 10240 : i32
    %mul3A_10 = arith.muli %add3A, %mul3A_9 : i32
    %scan3A_11 = arith.constant 0 : i32
    %scan3A_12 = arith.constant 0 : i32
    %scan3A_13 = arith.constant 10 : i32
    %scan3A_14 = arith.addi %scan3A_12, %scan3A_13 : i32
    %scan3A_15 = arith.constant 1 : i32
    scf.for %scan3A_19 = %scan3A_12 to %scan3A_14 step %scan3A_15  : i32 {
      %mul3A_20 = arith.constant 8 : i32
      %mul3A_21 = arith.muli %scan3A_19, %mul3A_20 : i32
      %mul3A_22 = arith.constant 128 : i32
      %mul3A_23 = arith.muli %mul3A_21, %mul3A_22 : i32
      %add3A_24 = arith.addi %mul3A_10, %mul3A_23 : i32
      "tpu.region"() ({
        %run_scoped3A = tpu.sem_alloc : memref<!tpu.dma_semaphore, #tpu.memory_space<semaphore_mem>>
        %dma_start3A = tpu.memref_slice %arg2[%add3A_24] : memref<327680xi32, #tpu.memory_space<hbm>> -> memref<1024xi32, #tpu.memory_space<hbm>>
        %dma_start3A_152 = tpu.memref_slice %arg2[%add3A_24] : memref<327680xi32, #tpu.memory_space<hbm>> -> memref<1024xi32, #tpu.memory_space<hbm>>
        tpu.enqueue_dma source(%dma_start3A_152 : memref<1024xi32, #tpu.memory_space<hbm>>) target(%arg4 : memref<1024xi32, #tpu.memory_space<vmem>>) target_semaphore(%run_scoped3A : memref<!tpu.dma_semaphore, #tpu.memory_space<semaphore_mem>>)
        %dma_wait3A = tpu.memref_slice %arg2[%add3A_24] : memref<327680xi32, #tpu.memory_space<hbm>> -> memref<1024xi32, #tpu.memory_space<hbm>>
        %dma_wait3A_153 = tpu.memref_slice %arg2[%add3A_24] : memref<327680xi32, #tpu.memory_space<hbm>> -> memref<1024xi32, #tpu.memory_space<hbm>>
        tpu.wait_dma2 semaphore(%run_scoped3A : memref<!tpu.dma_semaphore, #tpu.memory_space<semaphore_mem>>) src(%dma_wait3A_153 : memref<1024xi32, #tpu.memory_space<hbm>>) dst(%arg4 : memref<1024xi32, #tpu.memory_space<vmem>>)
        tpu.yield
      }) : () -> ()
      %get3A = arith.constant 0 : index
      %get3A_25 = tpu.vector_load %arg4[%get3A] {strides = array<i32>} : memref<1024xi32, #tpu.memory_space<vmem>>, vector<16xi32>,
      tpu.vector_store_idx %arg5[%get3A_25], %broadcast_in_dim3A_8 {add = true} : memref<10112xf32, #tpu.memory_space<vmem>>[vector<16xi32>], vector<16xf32>,
      %get3A_26 = arith.constant 16 : index
      %get3A_27 = tpu.vector_load %arg4[%get3A_26] {strides = array<i32>} : memref<1024xi32, #tpu.memory_space<vmem>>, vector<16xi32>,
      tpu.vector_store_idx %arg5[%get3A_27], %broadcast_in_dim3A_8 {add = true} : memref<10112xf32, #tpu.memory_space<vmem>>[vector<16xi32>], vector<16xf32>,
      %get3A_28 = arith.constant 32 : index
      %get3A_29 = tpu.vector_load %arg4[%get3A_28] {strides = array<i32>} : memref<1024xi32, #tpu.memory_space<vmem>>, vector<16xi32>,
      tpu.vector_store_idx %arg5[%get3A_29], %broadcast_in_dim3A_8 {add = true} : memref<10112xf32, #tpu.memory_space<vmem>>[vector<16xi32>], vector<16xf32>,
      %get3A_30 = arith.constant 48 : index
      %get3A_31 = tpu.vector_load %arg4[%get3A_30] {strides = array<i32>} : memref<1024xi32, #tpu.memory_space<vmem>>, vector<16xi32>,
      tpu.vector_store_idx %arg5[%get3A_31], %broadcast_in_dim3A_8 {add = true} : memref<10112xf32, #tpu.memory_space<vmem>>[vector<16xi32>], vector<16xf32>,
      %get3A_32 = arith.constant 64 : index
      %get3A_33 = tpu.vector_load %arg4[%get3A_32] {strides = array<i32>} : memref<1024xi32, #tpu.memory_space<vmem>>, vector<16xi32>,
      tpu.vector_store_idx %arg5[%get3A_33], %broadcast_in_dim3A_8 {add = true} : memref<10112xf32, #tpu.memory_space<vmem>>[vector<16xi32>], vector<16xf32>,
      %get3A_34 = arith.constant 80 : index
      %get3A_35 = tpu.vector_load %arg4[%get3A_34] {strides = array<i32>} : memref<1024xi32, #tpu.memory_space<vmem>>, vector<16xi32>,
      tpu.vector_store_idx %arg5[%get3A_35], %broadcast_in_dim3A_8 {add = true} : memref<10112xf32, #tpu.memory_space<vmem>>[vector<16xi32>], vector<16xf32>,
      %get3A_36 = arith.constant 96 : index
      %get3A_37 = tpu.vector_load %arg4[%get3A_36] {strides = array<i32>} : memref<1024xi32, #tpu.memory_space<vmem>>, vector<16xi32>,
      tpu.vector_store_idx %arg5[%get3A_37], %broadcast_in_dim3A_8 {add = true} : memref<10112xf32, #tpu.memory_space<vmem>>[vector<16xi32>], vector<16xf32>,
      %get3A_38 = arith.constant 112 : index
      %get3A_39 = tpu.vector_load %arg4[%get3A_38] {strides = array<i32>} : memref<1024xi32, #tpu.memory_space<vmem>>, vector<16xi32>,
      tpu.vector_store_idx %arg5[%get3A_39], %broadcast_in_dim3A_8 {add = true} : memref<10112xf32, #tpu.memory_space<vmem>>[vector<16xi32>], vector<16xf32>,
      %get3A_40 = arith.constant 128 : index
      %get3A_41 = tpu.vector_load %arg4[%get3A_40] {strides = array<i32>} : memref<1024xi32, #tpu.memory_space<vmem>>, vector<16xi32>,
      tpu.vector_store_idx %arg5[%get3A_41], %broadcast_in_dim3A_8 {add = true} : memref<10112xf32, #tpu.memory_space<vmem>>[vector<16xi32>], vector<16xf32>,
      %get3A_42 = arith.constant 144 : index
      %get3A_43 = tpu.vector_load %arg4[%get3A_42] {strides = array<i32>} : memref<1024xi32, #tpu.memory_space<vmem>>, vector<16xi32>,
      tpu.vector_store_idx %arg5[%get3A_43], %broadcast_in_dim3A_8 {add = true} : memref<10112xf32, #tpu.memory_space<vmem>>[vector<16xi32>], vector<16xf32>,
      %get3A_44 = arith.constant 160 : index
      %get3A_45 = tpu.vector_load %arg4[%get3A_44] {strides = array<i32>} : memref<1024xi32, #tpu.memory_space<vmem>>, vector<16xi32>,
      tpu.vector_store_idx %arg5[%get3A_45], %broadcast_in_dim3A_8 {add = true} : memref<10112xf32, #tpu.memory_space<vmem>>[vector<16xi32>], vector<16xf32>,
      %get3A_46 = arith.constant 176 : index
      %get3A_47 = tpu.vector_load %arg4[%get3A_46] {strides = array<i32>} : memref<1024xi32, #tpu.memory_space<vmem>>, vector<16xi32>,
      tpu.vector_store_idx %arg5[%get3A_47], %broadcast_in_dim3A_8 {add = true} : memref<10112xf32, #tpu.memory_space<vmem>>[vector<16xi32>], vector<16xf32>,
      %get3A_48 = arith.constant 192 : index
      %get3A_49 = tpu.vector_load %arg4[%get3A_48] {strides = array<i32>} : memref<1024xi32, #tpu.memory_space<vmem>>, vector<16xi32>,
      tpu.vector_store_idx %arg5[%get3A_49], %broadcast_in_dim3A_8 {add = true} : memref<10112xf32, #tpu.memory_space<vmem>>[vector<16xi32>], vector<16xf32>,
      %get3A_50 = arith.constant 208 : index
      %get3A_51 = tpu.vector_load %arg4[%get3A_50] {strides = array<i32>} : memref<1024xi32, #tpu.memory_space<vmem>>, vector<16xi32>,
      tpu.vector_store_idx %arg5[%get3A_51], %broadcast_in_dim3A_8 {add = true} : memref<10112xf32, #tpu.memory_space<vmem>>[vector<16xi32>], vector<16xf32>,
      %get3A_52 = arith.constant 224 : index
      %get3A_53 = tpu.vector_load %arg4[%get3A_52] {strides = array<i32>} : memref<1024xi32, #tpu.memory_space<vmem>>, vector<16xi32>,
      tpu.vector_store_idx %arg5[%get3A_53], %broadcast_in_dim3A_8 {add = true} : memref<10112xf32, #tpu.memory_space<vmem>>[vector<16xi32>], vector<16xf32>,
      %get3A_54 = arith.constant 240 : index
      %get3A_55 = tpu.vector_load %arg4[%get3A_54] {strides = array<i32>} : memref<1024xi32, #tpu.memory_space<vmem>>, vector<16xi32>,
      tpu.vector_store_idx %arg5[%get3A_55], %broadcast_in_dim3A_8 {add = true} : memref<10112xf32, #tpu.memory_space<vmem>>[vector<16xi32>], vector<16xf32>,
      %get3A_56 = arith.constant 256 : index
      %get3A_57 = tpu.vector_load %arg4[%get3A_56] {strides = array<i32>} : memref<1024xi32, #tpu.memory_space<vmem>>, vector<16xi32>,
      tpu.vector_store_idx %arg5[%get3A_57], %broadcast_in_dim3A_8 {add = true} : memref<10112xf32, #tpu.memory_space<vmem>>[vector<16xi32>], vector<16xf32>,
      %get3A_58 = arith.constant 272 : index
      %get3A_59 = tpu.vector_load %arg4[%get3A_58] {strides = array<i32>} : memref<1024xi32, #tpu.memory_space<vmem>>, vector<16xi32>,
      tpu.vector_store_idx %arg5[%get3A_59], %broadcast_in_dim3A_8 {add = true} : memref<10112xf32, #tpu.memory_space<vmem>>[vector<16xi32>], vector<16xf32>,
      %get3A_60 = arith.constant 288 : index
      %get3A_61 = tpu.vector_load %arg4[%get3A_60] {strides = array<i32>} : memref<1024xi32, #tpu.memory_space<vmem>>, vector<16xi32>,
      tpu.vector_store_idx %arg5[%get3A_61], %broadcast_in_dim3A_8 {add = true} : memref<10112xf32, #tpu.memory_space<vmem>>[vector<16xi32>], vector<16xf32>,
      %get3A_62 = arith.constant 304 : index
      %get3A_63 = tpu.vector_load %arg4[%get3A_62] {strides = array<i32>} : memref<1024xi32, #tpu.memory_space<vmem>>, vector<16xi32>,
      tpu.vector_store_idx %arg5[%get3A_63], %broadcast_in_dim3A_8 {add = true} : memref<10112xf32, #tpu.memory_space<vmem>>[vector<16xi32>], vector<16xf32>,
      %get3A_64 = arith.constant 320 : index
      %get3A_65 = tpu.vector_load %arg4[%get3A_64] {strides = array<i32>} : memref<1024xi32, #tpu.memory_space<vmem>>, vector<16xi32>,
      tpu.vector_store_idx %arg5[%get3A_65], %broadcast_in_dim3A_8 {add = true} : memref<10112xf32, #tpu.memory_space<vmem>>[vector<16xi32>], vector<16xf32>,
      %get3A_66 = arith.constant 336 : index
      %get3A_67 = tpu.vector_load %arg4[%get3A_66] {strides = array<i32>} : memref<1024xi32, #tpu.memory_space<vmem>>, vector<16xi32>,
      tpu.vector_store_idx %arg5[%get3A_67], %broadcast_in_dim3A_8 {add = true} : memref<10112xf32, #tpu.memory_space<vmem>>[vector<16xi32>], vector<16xf32>,
      %get3A_68 = arith.constant 352 : index
      %get3A_69 = tpu.vector_load %arg4[%get3A_68] {strides = array<i32>} : memref<1024xi32, #tpu.memory_space<vmem>>, vector<16xi32>,
      tpu.vector_store_idx %arg5[%get3A_69], %broadcast_in_dim3A_8 {add = true} : memref<10112xf32, #tpu.memory_space<vmem>>[vector<16xi32>], vector<16xf32>,
      %get3A_70 = arith.constant 368 : index
      %get3A_71 = tpu.vector_load %arg4[%get3A_70] {strides = array<i32>} : memref<1024xi32, #tpu.memory_space<vmem>>, vector<16xi32>,
      tpu.vector_store_idx %arg5[%get3A_71], %broadcast_in_dim3A_8 {add = true} : memref<10112xf32, #tpu.memory_space<vmem>>[vector<16xi32>], vector<16xf32>,
      %get3A_72 = arith.constant 384 : index
      %get3A_73 = tpu.vector_load %arg4[%get3A_72] {strides = array<i32>} : memref<1024xi32, #tpu.memory_space<vmem>>, vector<16xi32>,
      tpu.vector_store_idx %arg5[%get3A_73], %broadcast_in_dim3A_8 {add = true} : memref<10112xf32, #tpu.memory_space<vmem>>[vector<16xi32>], vector<16xf32>,
      %get3A_74 = arith.constant 400 : index
      %get3A_75 = tpu.vector_load %arg4[%get3A_74] {strides = array<i32>} : memref<1024xi32, #tpu.memory_space<vmem>>, vector<16xi32>,
      tpu.vector_store_idx %arg5[%get3A_75], %broadcast_in_dim3A_8 {add = true} : memref<10112xf32, #tpu.memory_space<vmem>>[vector<16xi32>], vector<16xf32>,
      %get3A_76 = arith.constant 416 : index
      %get3A_77 = tpu.vector_load %arg4[%get3A_76] {strides = array<i32>} : memref<1024xi32, #tpu.memory_space<vmem>>, vector<16xi32>,
      tpu.vector_store_idx %arg5[%get3A_77], %broadcast_in_dim3A_8 {add = true} : memref<10112xf32, #tpu.memory_space<vmem>>[vector<16xi32>], vector<16xf32>,
      %get3A_78 = arith.constant 432 : index
      %get3A_79 = tpu.vector_load %arg4[%get3A_78] {strides = array<i32>} : memref<1024xi32, #tpu.memory_space<vmem>>, vector<16xi32>,
      tpu.vector_store_idx %arg5[%get3A_79], %broadcast_in_dim3A_8 {add = true} : memref<10112xf32, #tpu.memory_space<vmem>>[vector<16xi32>], vector<16xf32>,
      %get3A_80 = arith.constant 448 : index
      %get3A_81 = tpu.vector_load %arg4[%get3A_80] {strides = array<i32>} : memref<1024xi32, #tpu.memory_space<vmem>>, vector<16xi32>,
      tpu.vector_store_idx %arg5[%get3A_81], %broadcast_in_dim3A_8 {add = true} : memref<10112xf32, #tpu.memory_space<vmem>>[vector<16xi32>], vector<16xf32>,
      %get3A_82 = arith.constant 464 : index
      %get3A_83 = tpu.vector_load %arg4[%get3A_82] {strides = array<i32>} : memref<1024xi32, #tpu.memory_space<vmem>>, vector<16xi32>,
      tpu.vector_store_idx %arg5[%get3A_83], %broadcast_in_dim3A_8 {add = true} : memref<10112xf32, #tpu.memory_space<vmem>>[vector<16xi32>], vector<16xf32>,
      %get3A_84 = arith.constant 480 : index
      %get3A_85 = tpu.vector_load %arg4[%get3A_84] {strides = array<i32>} : memref<1024xi32, #tpu.memory_space<vmem>>, vector<16xi32>,
      tpu.vector_store_idx %arg5[%get3A_85], %broadcast_in_dim3A_8 {add = true} : memref<10112xf32, #tpu.memory_space<vmem>>[vector<16xi32>], vector<16xf32>,
      %get3A_86 = arith.constant 496 : index
      %get3A_87 = tpu.vector_load %arg4[%get3A_86] {strides = array<i32>} : memref<1024xi32, #tpu.memory_space<vmem>>, vector<16xi32>,
      tpu.vector_store_idx %arg5[%get3A_87], %broadcast_in_dim3A_8 {add = true} : memref<10112xf32, #tpu.memory_space<vmem>>[vector<16xi32>], vector<16xf32>,
      %get3A_88 = arith.constant 512 : index
      %get3A_89 = tpu.vector_load %arg4[%get3A_88] {strides = array<i32>} : memref<1024xi32, #tpu.memory_space<vmem>>, vector<16xi32>,
      tpu.vector_store_idx %arg5[%get3A_89], %broadcast_in_dim3A_8 {add = true} : memref<10112xf32, #tpu.memory_space<vmem>>[vector<16xi32>], vector<16xf32>,
      %get3A_90 = arith.constant 528 : index
      %get3A_91 = tpu.vector_load %arg4[%get3A_90] {strides = array<i32>} : memref<1024xi32, #tpu.memory_space<vmem>>, vector<16xi32>,
      tpu.vector_store_idx %arg5[%get3A_91], %broadcast_in_dim3A_8 {add = true} : memref<10112xf32, #tpu.memory_space<vmem>>[vector<16xi32>], vector<16xf32>,
      %get3A_92 = arith.constant 544 : index
      %get3A_93 = tpu.vector_load %arg4[%get3A_92] {strides = array<i32>} : memref<1024xi32, #tpu.memory_space<vmem>>, vector<16xi32>,
      tpu.vector_store_idx %arg5[%get3A_93], %broadcast_in_dim3A_8 {add = true} : memref<10112xf32, #tpu.memory_space<vmem>>[vector<16xi32>], vector<16xf32>,
      %get3A_94 = arith.constant 560 : index
      %get3A_95 = tpu.vector_load %arg4[%get3A_94] {strides = array<i32>} : memref<1024xi32, #tpu.memory_space<vmem>>, vector<16xi32>,
      tpu.vector_store_idx %arg5[%get3A_95], %broadcast_in_dim3A_8 {add = true} : memref<10112xf32, #tpu.memory_space<vmem>>[vector<16xi32>], vector<16xf32>,
      %get3A_96 = arith.constant 576 : index
      %get3A_97 = tpu.vector_load %arg4[%get3A_96] {strides = array<i32>} : memref<1024xi32, #tpu.memory_space<vmem>>, vector<16xi32>,
      tpu.vector_store_idx %arg5[%get3A_97], %broadcast_in_dim3A_8 {add = true} : memref<10112xf32, #tpu.memory_space<vmem>>[vector<16xi32>], vector<16xf32>,
      %get3A_98 = arith.constant 592 : index
      %get3A_99 = tpu.vector_load %arg4[%get3A_98] {strides = array<i32>} : memref<1024xi32, #tpu.memory_space<vmem>>, vector<16xi32>,
      tpu.vector_store_idx %arg5[%get3A_99], %broadcast_in_dim3A_8 {add = true} : memref<10112xf32, #tpu.memory_space<vmem>>[vector<16xi32>], vector<16xf32>,
      %get3A_100 = arith.constant 608 : index
      %get3A_101 = tpu.vector_load %arg4[%get3A_100] {strides = array<i32>} : memref<1024xi32, #tpu.memory_space<vmem>>, vector<16xi32>,
      tpu.vector_store_idx %arg5[%get3A_101], %broadcast_in_dim3A_8 {add = true} : memref<10112xf32, #tpu.memory_space<vmem>>[vector<16xi32>], vector<16xf32>,
      %get3A_102 = arith.constant 624 : index
      %get3A_103 = tpu.vector_load %arg4[%get3A_102] {strides = array<i32>} : memref<1024xi32, #tpu.memory_space<vmem>>, vector<16xi32>,
      tpu.vector_store_idx %arg5[%get3A_103], %broadcast_in_dim3A_8 {add = true} : memref<10112xf32, #tpu.memory_space<vmem>>[vector<16xi32>], vector<16xf32>,
      %get3A_104 = arith.constant 640 : index
      %get3A_105 = tpu.vector_load %arg4[%get3A_104] {strides = array<i32>} : memref<1024xi32, #tpu.memory_space<vmem>>, vector<16xi32>,
      tpu.vector_store_idx %arg5[%get3A_105], %broadcast_in_dim3A_8 {add = true} : memref<10112xf32, #tpu.memory_space<vmem>>[vector<16xi32>], vector<16xf32>,
      %get3A_106 = arith.constant 656 : index
      %get3A_107 = tpu.vector_load %arg4[%get3A_106] {strides = array<i32>} : memref<1024xi32, #tpu.memory_space<vmem>>, vector<16xi32>,
      tpu.vector_store_idx %arg5[%get3A_107], %broadcast_in_dim3A_8 {add = true} : memref<10112xf32, #tpu.memory_space<vmem>>[vector<16xi32>], vector<16xf32>,
      %get3A_108 = arith.constant 672 : index
      %get3A_109 = tpu.vector_load %arg4[%get3A_108] {strides = array<i32>} : memref<1024xi32, #tpu.memory_space<vmem>>, vector<16xi32>,
      tpu.vector_store_idx %arg5[%get3A_109], %broadcast_in_dim3A_8 {add = true} : memref<10112xf32, #tpu.memory_space<vmem>>[vector<16xi32>], vector<16xf32>,
      %get3A_110 = arith.constant 688 : index
      %get3A_111 = tpu.vector_load %arg4[%get3A_110] {strides = array<i32>} : memref<1024xi32, #tpu.memory_space<vmem>>, vector<16xi32>,
      tpu.vector_store_idx %arg5[%get3A_111], %broadcast_in_dim3A_8 {add = true} : memref<10112xf32, #tpu.memory_space<vmem>>[vector<16xi32>], vector<16xf32>,
      %get3A_112 = arith.constant 704 : index
      %get3A_113 = tpu.vector_load %arg4[%get3A_112] {strides = array<i32>} : memref<1024xi32, #tpu.memory_space<vmem>>, vector<16xi32>,
      tpu.vector_store_idx %arg5[%get3A_113], %broadcast_in_dim3A_8 {add = true} : memref<10112xf32, #tpu.memory_space<vmem>>[vector<16xi32>], vector<16xf32>,
      %get3A_114 = arith.constant 720 : index
      %get3A_115 = tpu.vector_load %arg4[%get3A_114] {strides = array<i32>} : memref<1024xi32, #tpu.memory_space<vmem>>, vector<16xi32>,
      tpu.vector_store_idx %arg5[%get3A_115], %broadcast_in_dim3A_8 {add = true} : memref<10112xf32, #tpu.memory_space<vmem>>[vector<16xi32>], vector<16xf32>,
      %get3A_116 = arith.constant 736 : index
      %get3A_117 = tpu.vector_load %arg4[%get3A_116] {strides = array<i32>} : memref<1024xi32, #tpu.memory_space<vmem>>, vector<16xi32>,
      tpu.vector_store_idx %arg5[%get3A_117], %broadcast_in_dim3A_8 {add = true} : memref<10112xf32, #tpu.memory_space<vmem>>[vector<16xi32>], vector<16xf32>,
      %get3A_118 = arith.constant 752 : index
      %get3A_119 = tpu.vector_load %arg4[%get3A_118] {strides = array<i32>} : memref<1024xi32, #tpu.memory_space<vmem>>, vector<16xi32>,
      tpu.vector_store_idx %arg5[%get3A_119], %broadcast_in_dim3A_8 {add = true} : memref<10112xf32, #tpu.memory_space<vmem>>[vector<16xi32>], vector<16xf32>,
      %get3A_120 = arith.constant 768 : index
      %get3A_121 = tpu.vector_load %arg4[%get3A_120] {strides = array<i32>} : memref<1024xi32, #tpu.memory_space<vmem>>, vector<16xi32>,
      tpu.vector_store_idx %arg5[%get3A_121], %broadcast_in_dim3A_8 {add = true} : memref<10112xf32, #tpu.memory_space<vmem>>[vector<16xi32>], vector<16xf32>,
      %get3A_122 = arith.constant 784 : index
      %get3A_123 = tpu.vector_load %arg4[%get3A_122] {strides = array<i32>} : memref<1024xi32, #tpu.memory_space<vmem>>, vector<16xi32>,
      tpu.vector_store_idx %arg5[%get3A_123], %broadcast_in_dim3A_8 {add = true} : memref<10112xf32, #tpu.memory_space<vmem>>[vector<16xi32>], vector<16xf32>,
      %get3A_124 = arith.constant 800 : index
      %get3A_125 = tpu.vector_load %arg4[%get3A_124] {strides = array<i32>} : memref<1024xi32, #tpu.memory_space<vmem>>, vector<16xi32>,
      tpu.vector_store_idx %arg5[%get3A_125], %broadcast_in_dim3A_8 {add = true} : memref<10112xf32, #tpu.memory_space<vmem>>[vector<16xi32>], vector<16xf32>,
      %get3A_126 = arith.constant 816 : index
      %get3A_127 = tpu.vector_load %arg4[%get3A_126] {strides = array<i32>} : memref<1024xi32, #tpu.memory_space<vmem>>, vector<16xi32>,
      tpu.vector_store_idx %arg5[%get3A_127], %broadcast_in_dim3A_8 {add = true} : memref<10112xf32, #tpu.memory_space<vmem>>[vector<16xi32>], vector<16xf32>,
      %get3A_128 = arith.constant 832 : index
      %get3A_129 = tpu.vector_load %arg4[%get3A_128] {strides = array<i32>} : memref<1024xi32, #tpu.memory_space<vmem>>, vector<16xi32>,
      tpu.vector_store_idx %arg5[%get3A_129], %broadcast_in_dim3A_8 {add = true} : memref<10112xf32, #tpu.memory_space<vmem>>[vector<16xi32>], vector<16xf32>,
      %get3A_130 = arith.constant 848 : index
      %get3A_131 = tpu.vector_load %arg4[%get3A_130] {strides = array<i32>} : memref<1024xi32, #tpu.memory_space<vmem>>, vector<16xi32>,
      tpu.vector_store_idx %arg5[%get3A_131], %broadcast_in_dim3A_8 {add = true} : memref<10112xf32, #tpu.memory_space<vmem>>[vector<16xi32>], vector<16xf32>,
      %get3A_132 = arith.constant 864 : index
      %get3A_133 = tpu.vector_load %arg4[%get3A_132] {strides = array<i32>} : memref<1024xi32, #tpu.memory_space<vmem>>, vector<16xi32>,
      tpu.vector_store_idx %arg5[%get3A_133], %broadcast_in_dim3A_8 {add = true} : memref<10112xf32, #tpu.memory_space<vmem>>[vector<16xi32>], vector<16xf32>,
      %get3A_134 = arith.constant 880 : index
      %get3A_135 = tpu.vector_load %arg4[%get3A_134] {strides = array<i32>} : memref<1024xi32, #tpu.memory_space<vmem>>, vector<16xi32>,
      tpu.vector_store_idx %arg5[%get3A_135], %broadcast_in_dim3A_8 {add = true} : memref<10112xf32, #tpu.memory_space<vmem>>[vector<16xi32>], vector<16xf32>,
      %get3A_136 = arith.constant 896 : index
      %get3A_137 = tpu.vector_load %arg4[%get3A_136] {strides = array<i32>} : memref<1024xi32, #tpu.memory_space<vmem>>, vector<16xi32>,
      tpu.vector_store_idx %arg5[%get3A_137], %broadcast_in_dim3A_8 {add = true} : memref<10112xf32, #tpu.memory_space<vmem>>[vector<16xi32>], vector<16xf32>,
      %get3A_138 = arith.constant 912 : index
      %get3A_139 = tpu.vector_load %arg4[%get3A_138] {strides = array<i32>} : memref<1024xi32, #tpu.memory_space<vmem>>, vector<16xi32>,
      tpu.vector_store_idx %arg5[%get3A_139], %broadcast_in_dim3A_8 {add = true} : memref<10112xf32, #tpu.memory_space<vmem>>[vector<16xi32>], vector<16xf32>,
      %get3A_140 = arith.constant 928 : index
      %get3A_141 = tpu.vector_load %arg4[%get3A_140] {strides = array<i32>} : memref<1024xi32, #tpu.memory_space<vmem>>, vector<16xi32>,
      tpu.vector_store_idx %arg5[%get3A_141], %broadcast_in_dim3A_8 {add = true} : memref<10112xf32, #tpu.memory_space<vmem>>[vector<16xi32>], vector<16xf32>,
      %get3A_142 = arith.constant 944 : index
      %get3A_143 = tpu.vector_load %arg4[%get3A_142] {strides = array<i32>} : memref<1024xi32, #tpu.memory_space<vmem>>, vector<16xi32>,
      tpu.vector_store_idx %arg5[%get3A_143], %broadcast_in_dim3A_8 {add = true} : memref<10112xf32, #tpu.memory_space<vmem>>[vector<16xi32>], vector<16xf32>,
      %get3A_144 = arith.constant 960 : index
      %get3A_145 = tpu.vector_load %arg4[%get3A_144] {strides = array<i32>} : memref<1024xi32, #tpu.memory_space<vmem>>, vector<16xi32>,
      tpu.vector_store_idx %arg5[%get3A_145], %broadcast_in_dim3A_8 {add = true} : memref<10112xf32, #tpu.memory_space<vmem>>[vector<16xi32>], vector<16xf32>,
      %get3A_146 = arith.constant 976 : index
      %get3A_147 = tpu.vector_load %arg4[%get3A_146] {strides = array<i32>} : memref<1024xi32, #tpu.memory_space<vmem>>, vector<16xi32>,
      tpu.vector_store_idx %arg5[%get3A_147], %broadcast_in_dim3A_8 {add = true} : memref<10112xf32, #tpu.memory_space<vmem>>[vector<16xi32>], vector<16xf32>,
      %get3A_148 = arith.constant 992 : index
      %get3A_149 = tpu.vector_load %arg4[%get3A_148] {strides = array<i32>} : memref<1024xi32, #tpu.memory_space<vmem>>, vector<16xi32>,
      tpu.vector_store_idx %arg5[%get3A_149], %broadcast_in_dim3A_8 {add = true} : memref<10112xf32, #tpu.memory_space<vmem>>[vector<16xi32>], vector<16xf32>,
      %get3A_150 = arith.constant 1008 : index
      %get3A_151 = tpu.vector_load %arg4[%get3A_150] {strides = array<i32>} : memref<1024xi32, #tpu.memory_space<vmem>>, vector<16xi32>,
      tpu.vector_store_idx %arg5[%get3A_151], %broadcast_in_dim3A_8 {add = true} : memref<10112xf32, #tpu.memory_space<vmem>>[vector<16xi32>], vector<16xf32>,
    }
    %scan3A_16 = arith.constant 10 : i32
    %mul3A_17 = arith.constant 10112 : i32
    %mul3A_18 = arith.muli %add3A, %mul3A_17 : i32
    "tpu.region"() ({
      %run_scoped3A = tpu.sem_alloc : memref<!tpu.dma_semaphore, #tpu.memory_space<semaphore_mem>>
      %dma_start3A = tpu.memref_slice %arg3[%mul3A_18] : memref<323584xf32, #tpu.memory_space<hbm>> -> memref<10112xf32, #tpu.memory_space<hbm>>
      %dma_start3A_19 = tpu.memref_slice %arg3[%mul3A_18] : memref<323584xf32, #tpu.memory_space<hbm>> -> memref<10112xf32, #tpu.memory_space<hbm>>
      tpu.enqueue_dma source(%arg5 : memref<10112xf32, #tpu.memory_space<vmem>>) target(%dma_start3A_19 : memref<10112xf32, #tpu.memory_space<hbm>>) target_semaphore(%run_scoped3A : memref<!tpu.dma_semaphore, #tpu.memory_space<semaphore_mem>>)
      %dma_wait3A = tpu.memref_slice %arg3[%mul3A_18] : memref<323584xf32, #tpu.memory_space<hbm>> -> memref<10112xf32, #tpu.memory_space<hbm>>
      %dma_wait3A_20 = tpu.memref_slice %arg3[%mul3A_18] : memref<323584xf32, #tpu.memory_space<hbm>> -> memref<10112xf32, #tpu.memory_space<hbm>>
      tpu.wait_dma2 semaphore(%run_scoped3A : memref<!tpu.dma_semaphore, #tpu.memory_space<semaphore_mem>>) src(%arg5 : memref<10112xf32, #tpu.memory_space<vmem>>) dst(%dma_wait3A_20 : memref<10112xf32, #tpu.memory_space<hbm>>)
      tpu.yield
    }) : () -> ()
    return
  }
}

#map = affine_map<(d0, d1) -> (0, 0)>
#map1 = affine_map<(d0, d1) -> (0)>
#map2 = affine_map<(d0, d1) -> (0, 0, 0)>
module attributes {stable_mosaic.version = 14 : i64} {
  func.func @sc_scatter(%arg0: i32, %arg1: i32, %arg2: memref<10000x128xf32, #tpu.memory_space<hbm>>, %arg3: memref<327680xi32, #tpu.memory_space<hbm>>, %arg4: memref<327680xi32, #tpu.memory_space<hbm>>, %arg5: memref<10112x128xf32, #tpu.memory_space<hbm>>, %arg6: memref<2x10112x128xf32, #tpu.memory_space<hbm>>, %arg7: memref<128xi32, #tpu.memory_space<vmem>>, %arg8: memref<128xi32, #tpu.memory_space<vmem>>, %arg9: memref<128x128xf32, #tpu.memory_space<vmem>>, %arg10: memref<10112x128xf32, #tpu.memory_space<vmem_shared>>, %arg11: memref<!tpu.dma_semaphore, #tpu.memory_space<semaphore_mem>>) attributes {dimension_semantics = [#tpu.dimension_semantics<core_parallel>, #tpu.dimension_semantics<subcore_parallel>], iteration_bounds = array<i64: 2, 16>, scalar_prefetch = 0 : i64, scratch_operands = 5 : i64, tpu.core_type = #tpu.core_type<sc_vector_subcore>, window_params = [{transform_indices = #map}, {transform_indices = #map1}, {transform_indices = #map1}, {transform_indices = #map}, {transform_indices = #map2}]} {
    %mul3A = arith.constant 2 : i32
    %mul3A_0 = arith.muli %arg1, %mul3A : i32
    %add3A = arith.addi %mul3A_0, %arg0 : i32
    %mul3A_1 = arith.constant 632 : i32
    %mul3A_2 = arith.muli %arg1, %mul3A_1 : i32
    %mul3A_3 = arith.constant 632 : i32
    %mul3A_4 = arith.muli %arg1, %mul3A_3 : i32
    "tpu.region"() ({
      %run_scoped3A = tpu.sem_alloc : memref<!tpu.dma_semaphore, #tpu.memory_space<semaphore_mem>>
      %dma_start3A = arith.constant 0 : i32
      %dma_start3A_17 = tpu.memref_slice %arg10[%mul3A_4, %dma_start3A] : memref<10112x128xf32, #tpu.memory_space<vmem_shared>> -> memref<632x128xf32, #tpu.memory_space<vmem_shared>>
      %dma_start3A_18 = arith.constant 0 : i32
      %dma_start3A_19 = tpu.memref_slice %arg5[%mul3A_2, %dma_start3A_18] : memref<10112x128xf32, #tpu.memory_space<hbm>> -> memref<632x128xf32, #tpu.memory_space<hbm>>
      tpu.enqueue_dma source(%dma_start3A_19 : memref<632x128xf32, #tpu.memory_space<hbm>>) target(%dma_start3A_17 : memref<632x128xf32, #tpu.memory_space<vmem_shared>>) target_semaphore(%run_scoped3A : memref<!tpu.dma_semaphore, #tpu.memory_space<semaphore_mem>>)
      %dma_wait3A = arith.constant 0 : i32
      %dma_wait3A_20 = tpu.memref_slice %arg10[%mul3A_4, %dma_wait3A] : memref<10112x128xf32, #tpu.memory_space<vmem_shared>> -> memref<632x128xf32, #tpu.memory_space<vmem_shared>>
      %dma_wait3A_21 = arith.constant 0 : i32
      %dma_wait3A_22 = tpu.memref_slice %arg5[%mul3A_2, %dma_wait3A_21] : memref<10112x128xf32, #tpu.memory_space<hbm>> -> memref<632x128xf32, #tpu.memory_space<hbm>>
      tpu.wait_dma2 semaphore(%run_scoped3A : memref<!tpu.dma_semaphore, #tpu.memory_space<semaphore_mem>>) src(%dma_wait3A_22 : memref<632x128xf32, #tpu.memory_space<hbm>>) dst(%dma_wait3A_20 : memref<632x128xf32, #tpu.memory_space<vmem_shared>>)
      tpu.yield
    }) : () -> ()
    %barrier3A = arith.constant 0 : index
    tpu.barrier barrier_id(%barrier3A)
    %mul3A_5 = arith.constant 10240 : i32
    %mul3A_6 = arith.muli %add3A, %mul3A_5 : i32
    %scan3A = arith.constant 0 : i32
    %scan3A_7 = arith.constant 0 : i32
    %scan3A_8 = arith.constant 80 : i32
    %scan3A_9 = arith.addi %scan3A_7, %scan3A_8 : i32
    %scan3A_10 = arith.constant 1 : i32
    scf.for %scan3A_17 = %scan3A_7 to %scan3A_9 step %scan3A_10  : i32 {
      %mul3A_18 = arith.constant 128 : i32
      %mul3A_19 = arith.muli %scan3A_17, %mul3A_18 : i32
      %add3A_20 = arith.addi %mul3A_6, %mul3A_19 : i32
      "tpu.region"() ({
        %run_scoped3A = tpu.sem_alloc : memref<!tpu.dma_semaphore, #tpu.memory_space<semaphore_mem>>
        %dma_start3A_25 = tpu.memref_slice %arg3[%add3A_20] : memref<327680xi32, #tpu.memory_space<hbm>> -> memref<128xi32, #tpu.memory_space<hbm>>
        %dma_start3A_26 = tpu.memref_slice %arg3[%add3A_20] : memref<327680xi32, #tpu.memory_space<hbm>> -> memref<128xi32, #tpu.memory_space<hbm>>
        tpu.enqueue_dma source(%dma_start3A_26 : memref<128xi32, #tpu.memory_space<hbm>>) target(%arg7 : memref<128xi32, #tpu.memory_space<vmem>>) target_semaphore(%run_scoped3A : memref<!tpu.dma_semaphore, #tpu.memory_space<semaphore_mem>>)
        %dma_wait3A_27 = tpu.memref_slice %arg3[%add3A_20] : memref<327680xi32, #tpu.memory_space<hbm>> -> memref<128xi32, #tpu.memory_space<hbm>>
        %dma_wait3A_28 = tpu.memref_slice %arg3[%add3A_20] : memref<327680xi32, #tpu.memory_space<hbm>> -> memref<128xi32, #tpu.memory_space<hbm>>
        tpu.wait_dma2 semaphore(%run_scoped3A : memref<!tpu.dma_semaphore, #tpu.memory_space<semaphore_mem>>) src(%dma_wait3A_28 : memref<128xi32, #tpu.memory_space<hbm>>) dst(%arg7 : memref<128xi32, #tpu.memory_space<vmem>>)
        tpu.yield
      }) : () -> ()
      "tpu.region"() ({
        %run_scoped3A = tpu.sem_alloc : memref<!tpu.dma_semaphore, #tpu.memory_space<semaphore_mem>>
        %dma_start3A_25 = tpu.memref_slice %arg4[%add3A_20] : memref<327680xi32, #tpu.memory_space<hbm>> -> memref<128xi32, #tpu.memory_space<hbm>>
        %dma_start3A_26 = tpu.memref_slice %arg4[%add3A_20] : memref<327680xi32, #tpu.memory_space<hbm>> -> memref<128xi32, #tpu.memory_space<hbm>>
        tpu.enqueue_dma source(%dma_start3A_26 : memref<128xi32, #tpu.memory_space<hbm>>) target(%arg8 : memref<128xi32, #tpu.memory_space<vmem>>) target_semaphore(%run_scoped3A : memref<!tpu.dma_semaphore, #tpu.memory_space<semaphore_mem>>)
        %dma_wait3A_27 = tpu.memref_slice %arg4[%add3A_20] : memref<327680xi32, #tpu.memory_space<hbm>> -> memref<128xi32, #tpu.memory_space<hbm>>
        %dma_wait3A_28 = tpu.memref_slice %arg4[%add3A_20] : memref<327680xi32, #tpu.memory_space<hbm>> -> memref<128xi32, #tpu.memory_space<hbm>>
        tpu.wait_dma2 semaphore(%run_scoped3A : memref<!tpu.dma_semaphore, #tpu.memory_space<semaphore_mem>>) src(%dma_wait3A_28 : memref<128xi32, #tpu.memory_space<hbm>>) dst(%arg8 : memref<128xi32, #tpu.memory_space<vmem>>)
        tpu.yield
      }) : () -> ()
      %dma_start3A = arith.constant 0 : i32
      %dma_start3A_21 = arith.constant 0 : i32
      %dma_start3A_22 = tpu.memref_slice %arg2[%dma_start3A, %dma_start3A_21] : memref<10000x128xf32, #tpu.memory_space<hbm>> -> memref<10000x128xf32, #tpu.memory_space<hbm>>
      tpu.enqueue_indirect_dma source(%dma_start3A_22 : memref<10000x128xf32, #tpu.memory_space<hbm>>) target(%arg9 : memref<128x128xf32, #tpu.memory_space<vmem>>) offsets(%arg7 : memref<128xi32, #tpu.memory_space<vmem>>) semaphore(%arg11 : memref<!tpu.dma_semaphore, #tpu.memory_space<semaphore_mem>>)
      %dma_wait3A = arith.constant 0 : i32
      %dma_wait3A_23 = arith.constant 0 : i32
      %dma_wait3A_24 = tpu.memref_slice %arg2[%dma_wait3A, %dma_wait3A_23] : memref<10000x128xf32, #tpu.memory_space<hbm>> -> memref<10000x128xf32, #tpu.memory_space<hbm>>
      tpu.wait_indirect_dma semaphore(%arg11 : memref<!tpu.dma_semaphore, #tpu.memory_space<semaphore_mem>>) src(%dma_wait3A_24 : memref<10000x128xf32, #tpu.memory_space<hbm>>) dst(%arg9 : memref<128x128xf32, #tpu.memory_space<vmem>>)
      "tpu.region"() ({
        %run_scoped3A = tpu.sem_alloc : memref<!tpu.dma_semaphore, #tpu.memory_space<semaphore_mem>>
        %dma_start3A_25 = arith.constant 0 : i32
        %dma_start3A_26 = arith.constant 0 : i32
        %dma_start3A_27 = tpu.memref_slice %arg10[%dma_start3A_25, %dma_start3A_26] : memref<10112x128xf32, #tpu.memory_space<vmem_shared>> -> memref<10112x128xf32, #tpu.memory_space<vmem_shared>>
        tpu.enqueue_indirect_dma source(%arg9 : memref<128x128xf32, #tpu.memory_space<vmem>>) target(%dma_start3A_27 : memref<10112x128xf32, #tpu.memory_space<vmem_shared>>) offsets(%arg8 : memref<128xi32, #tpu.memory_space<vmem>>) semaphore(%run_scoped3A : memref<!tpu.dma_semaphore, #tpu.memory_space<semaphore_mem>>) {add = true}
        %dma_wait3A_28 = arith.constant 0 : i32
        %dma_wait3A_29 = arith.constant 0 : i32
        %dma_wait3A_30 = tpu.memref_slice %arg10[%dma_wait3A_28, %dma_wait3A_29] : memref<10112x128xf32, #tpu.memory_space<vmem_shared>> -> memref<10112x128xf32, #tpu.memory_space<vmem_shared>>
        tpu.wait_indirect_dma semaphore(%run_scoped3A : memref<!tpu.dma_semaphore, #tpu.memory_space<semaphore_mem>>) src(%arg9 : memref<128x128xf32, #tpu.memory_space<vmem>>) dst(%dma_wait3A_30 : memref<10112x128xf32, #tpu.memory_space<vmem_shared>>)
        tpu.yield
      }) : () -> ()
    }
    %scan3A_11 = arith.constant 80 : i32
    %barrier3A_12 = arith.constant 0 : index
    tpu.barrier barrier_id(%barrier3A_12)
    %mul3A_13 = arith.constant 632 : i32
    %mul3A_14 = arith.muli %arg1, %mul3A_13 : i32
    %mul3A_15 = arith.constant 632 : i32
    %mul3A_16 = arith.muli %arg1, %mul3A_15 : i32
    "tpu.region"() ({
      %run_scoped3A = tpu.sem_alloc : memref<!tpu.dma_semaphore, #tpu.memory_space<semaphore_mem>>
      %dma_start3A = arith.constant 0 : i32
      %dma_start3A_17 = tpu.memref_slice %arg6[%arg0, %mul3A_16, %dma_start3A] : memref<2x10112x128xf32, #tpu.memory_space<hbm>> -> memref<1x632x128xf32, #tpu.memory_space<hbm>>
      %dma_start3A_18 = tpu.memref_squeeze %dma_start3A_17 : memref<1x632x128xf32, #tpu.memory_space<hbm>> -> memref<632x128xf32, #tpu.memory_space<hbm>>
      %dma_start3A_19 = arith.constant 0 : i32
      %dma_start3A_20 = tpu.memref_slice %arg10[%mul3A_14, %dma_start3A_19] : memref<10112x128xf32, #tpu.memory_space<vmem_shared>> -> memref<632x128xf32, #tpu.memory_space<vmem_shared>>
      tpu.enqueue_dma source(%dma_start3A_20 : memref<632x128xf32, #tpu.memory_space<vmem_shared>>) target(%dma_start3A_18 : memref<632x128xf32, #tpu.memory_space<hbm>>) target_semaphore(%run_scoped3A : memref<!tpu.dma_semaphore, #tpu.memory_space<semaphore_mem>>)
      %dma_wait3A = arith.constant 0 : i32
      %dma_wait3A_21 = tpu.memref_slice %arg6[%arg0, %mul3A_16, %dma_wait3A] : memref<2x10112x128xf32, #tpu.memory_space<hbm>> -> memref<1x632x128xf32, #tpu.memory_space<hbm>>
      %dma_wait3A_22 = tpu.memref_squeeze %dma_wait3A_21 : memref<1x632x128xf32, #tpu.memory_space<hbm>> -> memref<632x128xf32, #tpu.memory_space<hbm>>
      %dma_wait3A_23 = arith.constant 0 : i32
      %dma_wait3A_24 = tpu.memref_slice %arg10[%mul3A_14, %dma_wait3A_23] : memref<10112x128xf32, #tpu.memory_space<vmem_shared>> -> memref<632x128xf32, #tpu.memory_space<vmem_shared>>
      tpu.wait_dma2 semaphore(%run_scoped3A : memref<!tpu.dma_semaphore, #tpu.memory_space<semaphore_mem>>) src(%dma_wait3A_24 : memref<632x128xf32, #tpu.memory_space<vmem_shared>>) dst(%dma_wait3A_22 : memref<632x128xf32, #tpu.memory_space<hbm>>)
      tpu.yield
    }) : () -> ()
    return
  }
}

module attributes {stable_mosaic.version = 14 : i64} {
  func.func @_tc_prep_body(%arg0: memref<32x10112xf32, #tpu.memory_space<vmem>>, %arg1: memref<10000x128xf32, #tpu.memory_space<vmem>>, %arg2: memref<128x128xf32, #tpu.memory_space<vmem>>, %arg3: memref<10000x1xf32, #tpu.memory_space<vmem>>, %arg4: memref<10000x128xf32, #tpu.memory_space<vmem>>) attributes {dimension_semantics = [], scalar_prefetch = 0 : i64, scratch_operands = 0 : i64, tpu.core_type = #tpu.core_type<tc>} {
    %get3A = arith.constant 0 : index
    %get3A_0 = arith.constant 0 : index
    %get3A_1 = vector.load %arg0[%get3A, %get3A_0] : memref<32x10112xf32, #tpu.memory_space<vmem>>, vector<32x10112xf32>
    %broadcast_in_dim3A = arith.constant 1.000000e+00 : f32
    %broadcast_in_dim3A_2 = vector.broadcast %broadcast_in_dim3A : f32 to vector<32x1xf32>
    %dot_general3A = arith.constant dense<0.000000e+00> : vector<10112x1xf32>
    %dot_general3A_3 = tpu.matmul %get3A_1, %broadcast_in_dim3A_2, %dot_general3A {dimension_numbers = #tpu.dot_dimension_numbers<[0], [0], [1], [1], [0, 1, 1, 1], [], []>, transpose_lhs_hint = false} : vector<32x10112xf32>, vector<32x1xf32>, vector<10112x1xf32> -> vector<10112x1xf32>
    %slice3A = vector.extract_strided_slice %dot_general3A_3 {offsets = [0, 0], sizes = [10000, 1], strides = [1, 1]} : vector<10112x1xf32> to vector<10000x1xf32>
    %add3A = arith.constant 1.000000e+00 : f32
    %add3A_4 = vector.broadcast %add3A : f32 to vector<10000x1xf32>
    %add3A_5 = arith.addf %slice3A, %add3A_4 : vector<10000x1xf32>
    %rsqrt3A = math.rsqrt %add3A_5 : vector<10000x1xf32>
    %swap3A = arith.constant 0 : index
    %swap3A_6 = arith.constant 0 : index
    %swap3A_7 = vector.load %arg3[%swap3A, %swap3A_6] : memref<10000x1xf32, #tpu.memory_space<vmem>>, vector<10000x1xf32>
    tpu.vector_store %arg3[%swap3A, %swap3A_6], %rsqrt3A {strides = array<i32>} : memref<10000x1xf32, #tpu.memory_space<vmem>>, vector<10000x1xf32>,
    %get3A_8 = arith.constant 0 : index
    %get3A_9 = arith.constant 0 : index
    %get3A_10 = vector.load %arg1[%get3A_8, %get3A_9] : memref<10000x128xf32, #tpu.memory_space<vmem>>, vector<10000x128xf32>
    %get3A_11 = arith.constant 0 : index
    %get3A_12 = arith.constant 0 : index
    %get3A_13 = vector.load %arg2[%get3A_11, %get3A_12] : memref<128x128xf32, #tpu.memory_space<vmem>>, vector<128x128xf32>
    %dot_general3A_14 = arith.constant dense<0.000000e+00> : vector<10000x128xf32>
    %dot_general3A_15 = tpu.matmul %get3A_10, %get3A_13, %dot_general3A_14 {dimension_numbers = #tpu.dot_dimension_numbers<[1], [0], [0], [1], [0, 0, 1, 1], [], []>, transpose_lhs_hint = false} : vector<10000x128xf32>, vector<128x128xf32>, vector<10000x128xf32> -> vector<10000x128xf32>
    %mul3A = vector.broadcast %rsqrt3A : vector<10000x1xf32> to vector<10000x128xf32>
    %mul3A_16 = arith.mulf %dot_general3A_15, %mul3A : vector<10000x128xf32>
    %swap3A_17 = arith.constant 0 : index
    %swap3A_18 = arith.constant 0 : index
    %swap3A_19 = vector.load %arg4[%swap3A_17, %swap3A_18] : memref<10000x128xf32, #tpu.memory_space<vmem>>, vector<10000x128xf32>
    tpu.vector_store %arg4[%swap3A_17, %swap3A_18], %mul3A_16 {strides = array<i32>} : memref<10000x128xf32, #tpu.memory_space<vmem>>, vector<10000x128xf32>,
    return
  }
}

module attributes {stable_mosaic.version = 14 : i64} {
  func.func @_tc_mid_body(%arg0: memref<2x10112x128xf32, #tpu.memory_space<vmem>>, %arg1: memref<10000x128xf32, #tpu.memory_space<vmem>>, %arg2: memref<10000x1xf32, #tpu.memory_space<vmem>>, %arg3: memref<128xf32, #tpu.memory_space<vmem>>, %arg4: memref<128xf32, #tpu.memory_space<vmem>>, %arg5: memref<128xf32, #tpu.memory_space<vmem>>, %arg6: memref<128x128xf32, #tpu.memory_space<vmem>>, %arg7: memref<10000x128xf32, #tpu.memory_space<vmem>>) attributes {dimension_semantics = [], scalar_prefetch = 0 : i64, scratch_operands = 0 : i64, tpu.core_type = #tpu.core_type<tc>} {
    %get3A = arith.constant 0 : index
    %get3A_0 = arith.constant 0 : index
    %get3A_1 = vector.load %arg2[%get3A, %get3A_0] : memref<10000x1xf32, #tpu.memory_space<vmem>>, vector<10000x1xf32>
    %get3A_2 = arith.constant 0 : index
    %get3A_3 = arith.constant 0 : index
    %get3A_4 = arith.constant 0 : index
    %get3A_5 = vector.load %arg0[%get3A_2, %get3A_3, %get3A_4] : memref<2x10112x128xf32, #tpu.memory_space<vmem>>, vector<1x10000x128xf32>
    %get3A_6 = vector.shape_cast %get3A_5 : vector<1x10000x128xf32> to vector<10000x128xf32>
    %get3A_7 = arith.constant 1 : index
    %get3A_8 = arith.constant 0 : index
    %get3A_9 = arith.constant 0 : index
    %get3A_10 = vector.load %arg0[%get3A_7, %get3A_8, %get3A_9] : memref<2x10112x128xf32, #tpu.memory_space<vmem>>, vector<1x10000x128xf32>
    %get3A_11 = vector.shape_cast %get3A_10 : vector<1x10000x128xf32> to vector<10000x128xf32>
    %add3A = arith.addf %get3A_6, %get3A_11 : vector<10000x128xf32>
    %get3A_12 = arith.constant 0 : index
    %get3A_13 = arith.constant 0 : index
    %get3A_14 = vector.load %arg1[%get3A_12, %get3A_13] : memref<10000x128xf32, #tpu.memory_space<vmem>>, vector<10000x128xf32>
    %add3A_15 = arith.addf %add3A, %get3A_14 : vector<10000x128xf32>
    %mul3A = vector.broadcast %get3A_1 : vector<10000x1xf32> to vector<10000x128xf32>
    %mul3A_16 = arith.mulf %mul3A, %add3A_15 : vector<10000x128xf32>
    %get3A_17 = arith.constant 0 : index
    %get3A_18 = vector.load %arg3[%get3A_17] : memref<128xf32, #tpu.memory_space<vmem>>, vector<128xf32>
    %broadcast_in_dim3A = vector.shape_cast %get3A_18 : vector<128xf32> to vector<1x128xf32>
    %add3A_19 = vector.broadcast %broadcast_in_dim3A : vector<1x128xf32> to vector<10000x128xf32>
    %add3A_20 = arith.addf %mul3A_16, %add3A_19 : vector<10000x128xf32>
    %get3A_21 = arith.constant 0 : index
    %get3A_22 = vector.load %arg4[%get3A_21] : memref<128xf32, #tpu.memory_space<vmem>>, vector<128xf32>
    %get3A_23 = arith.constant 0 : index
    %get3A_24 = vector.load %arg5[%get3A_23] : memref<128xf32, #tpu.memory_space<vmem>>, vector<128xf32>
    %reduce_sum3A = arith.constant dense<0.000000e+00> : vector<128xf32>
    %reduce_sum3A_25 = vector.multi_reduction <add>, %add3A_20, %reduce_sum3A [0] : vector<10000x128xf32> to vector<128xf32>
    %broadcast_in_dim3A_26 = vector.shape_cast %reduce_sum3A_25 : vector<128xf32> to vector<1x128xf32>
    %div3A = arith.constant 1.000000e+04 : f32
    %div3A_27 = vector.broadcast %div3A : f32 to vector<1x128xf32>
    %div3A_28 = arith.divf %broadcast_in_dim3A_26, %div3A_27 : vector<1x128xf32>
    %sub3A = vector.broadcast %div3A_28 : vector<1x128xf32> to vector<10000x128xf32>
    %sub3A_29 = arith.subf %add3A_20, %sub3A : vector<10000x128xf32>
    %integer_pow3A = arith.mulf %sub3A_29, %sub3A_29 : vector<10000x128xf32>
    %reduce_sum3A_30 = arith.constant dense<0.000000e+00> : vector<128xf32>
    %reduce_sum3A_31 = vector.multi_reduction <add>, %integer_pow3A, %reduce_sum3A_30 [0] : vector<10000x128xf32> to vector<128xf32>
    %broadcast_in_dim3A_32 = vector.shape_cast %reduce_sum3A_31 : vector<128xf32> to vector<1x128xf32>
    %div3A_33 = arith.constant 1.000000e+04 : f32
    %div3A_34 = vector.broadcast %div3A_33 : f32 to vector<1x128xf32>
    %div3A_35 = arith.divf %broadcast_in_dim3A_32, %div3A_34 : vector<1x128xf32>
    %sub3A_36 = vector.broadcast %div3A_28 : vector<1x128xf32> to vector<10000x128xf32>
    %sub3A_37 = arith.subf %add3A_20, %sub3A_36 : vector<10000x128xf32>
    %add3A_38 = arith.constant 9.99999974E-6 : f32
    %add3A_39 = vector.broadcast %add3A_38 : f32 to vector<1x128xf32>
    %add3A_40 = arith.addf %div3A_35, %add3A_39 : vector<1x128xf32>
    %rsqrt3A = math.rsqrt %add3A_40 : vector<1x128xf32>
    %mul3A_41 = vector.broadcast %rsqrt3A : vector<1x128xf32> to vector<10000x128xf32>
    %mul3A_42 = arith.mulf %sub3A_37, %mul3A_41 : vector<10000x128xf32>
    %broadcast_in_dim3A_43 = vector.shape_cast %get3A_22 : vector<128xf32> to vector<1x128xf32>
    %mul3A_44 = vector.broadcast %broadcast_in_dim3A_43 : vector<1x128xf32> to vector<10000x128xf32>
    %mul3A_45 = arith.mulf %mul3A_42, %mul3A_44 : vector<10000x128xf32>
    %broadcast_in_dim3A_46 = vector.shape_cast %get3A_24 : vector<128xf32> to vector<1x128xf32>
    %add3A_47 = vector.broadcast %broadcast_in_dim3A_46 : vector<1x128xf32> to vector<10000x128xf32>
    %add3A_48 = arith.addf %mul3A_45, %add3A_47 : vector<10000x128xf32>
    %max3A = arith.constant 0.000000e+00 : f32
    %max3A_49 = vector.broadcast %max3A : f32 to vector<10000x128xf32>
    %max3A_50 = arith.maximumf %add3A_48, %max3A_49 : vector<10000x128xf32>
    %get3A_51 = arith.constant 0 : index
    %get3A_52 = arith.constant 0 : index
    %get3A_53 = vector.load %arg6[%get3A_51, %get3A_52] : memref<128x128xf32, #tpu.memory_space<vmem>>, vector<128x128xf32>
    %dot_general3A = arith.constant dense<0.000000e+00> : vector<10000x128xf32>
    %dot_general3A_54 = tpu.matmul %max3A_50, %get3A_53, %dot_general3A {dimension_numbers = #tpu.dot_dimension_numbers<[1], [0], [0], [1], [0, 0, 1, 1], [], []>, transpose_lhs_hint = false} : vector<10000x128xf32>, vector<128x128xf32>, vector<10000x128xf32> -> vector<10000x128xf32>
    %mul3A_55 = vector.broadcast %get3A_1 : vector<10000x1xf32> to vector<10000x128xf32>
    %mul3A_56 = arith.mulf %dot_general3A_54, %mul3A_55 : vector<10000x128xf32>
    %swap3A = arith.constant 0 : index
    %swap3A_57 = arith.constant 0 : index
    %swap3A_58 = vector.load %arg7[%swap3A, %swap3A_57] : memref<10000x128xf32, #tpu.memory_space<vmem>>, vector<10000x128xf32>
    tpu.vector_store %arg7[%swap3A, %swap3A_57], %mul3A_56 {strides = array<i32>} : memref<10000x128xf32, #tpu.memory_space<vmem>>, vector<10000x128xf32>,
    return
  }
}

module attributes {stable_mosaic.version = 14 : i64} {
  func.func @_tc_final_body(%arg0: memref<2x10112x128xf32, #tpu.memory_space<vmem>>, %arg1: memref<10000x128xf32, #tpu.memory_space<vmem>>, %arg2: memref<10000x1xf32, #tpu.memory_space<vmem>>, %arg3: memref<128xf32, #tpu.memory_space<vmem>>, %arg4: memref<128xf32, #tpu.memory_space<vmem>>, %arg5: memref<128xf32, #tpu.memory_space<vmem>>, %arg6: memref<10000x1xi32, #tpu.memory_space<vmem>>, %arg7: memref<128x128xf32, #tpu.memory_space<vmem>>, %arg8: memref<128xf32, #tpu.memory_space<vmem>>, %arg9: memref<128x128xf32, #tpu.memory_space<vmem>>, %arg10: memref<128xf32, #tpu.memory_space<vmem>>, %arg11: memref<64x128xf32, #tpu.memory_space<vmem>>) attributes {dimension_semantics = [], scalar_prefetch = 0 : i64, scratch_operands = 0 : i64, tpu.core_type = #tpu.core_type<tc>} {
    %get3A = arith.constant 0 : index
    %get3A_0 = arith.constant 0 : index
    %get3A_1 = vector.load %arg2[%get3A, %get3A_0] : memref<10000x1xf32, #tpu.memory_space<vmem>>, vector<10000x1xf32>
    %get3A_2 = arith.constant 0 : index
    %get3A_3 = arith.constant 0 : index
    %get3A_4 = arith.constant 0 : index
    %get3A_5 = vector.load %arg0[%get3A_2, %get3A_3, %get3A_4] : memref<2x10112x128xf32, #tpu.memory_space<vmem>>, vector<1x10000x128xf32>
    %get3A_6 = vector.shape_cast %get3A_5 : vector<1x10000x128xf32> to vector<10000x128xf32>
    %get3A_7 = arith.constant 1 : index
    %get3A_8 = arith.constant 0 : index
    %get3A_9 = arith.constant 0 : index
    %get3A_10 = vector.load %arg0[%get3A_7, %get3A_8, %get3A_9] : memref<2x10112x128xf32, #tpu.memory_space<vmem>>, vector<1x10000x128xf32>
    %get3A_11 = vector.shape_cast %get3A_10 : vector<1x10000x128xf32> to vector<10000x128xf32>
    %add3A = arith.addf %get3A_6, %get3A_11 : vector<10000x128xf32>
    %get3A_12 = arith.constant 0 : index
    %get3A_13 = arith.constant 0 : index
    %get3A_14 = vector.load %arg1[%get3A_12, %get3A_13] : memref<10000x128xf32, #tpu.memory_space<vmem>>, vector<10000x128xf32>
    %add3A_15 = arith.addf %add3A, %get3A_14 : vector<10000x128xf32>
    %mul3A = vector.broadcast %get3A_1 : vector<10000x1xf32> to vector<10000x128xf32>
    %mul3A_16 = arith.mulf %mul3A, %add3A_15 : vector<10000x128xf32>
    %get3A_17 = arith.constant 0 : index
    %get3A_18 = vector.load %arg3[%get3A_17] : memref<128xf32, #tpu.memory_space<vmem>>, vector<128xf32>
    %broadcast_in_dim3A = vector.shape_cast %get3A_18 : vector<128xf32> to vector<1x128xf32>
    %add3A_19 = vector.broadcast %broadcast_in_dim3A : vector<1x128xf32> to vector<10000x128xf32>
    %add3A_20 = arith.addf %mul3A_16, %add3A_19 : vector<10000x128xf32>
    %get3A_21 = arith.constant 0 : index
    %get3A_22 = vector.load %arg4[%get3A_21] : memref<128xf32, #tpu.memory_space<vmem>>, vector<128xf32>
    %get3A_23 = arith.constant 0 : index
    %get3A_24 = vector.load %arg5[%get3A_23] : memref<128xf32, #tpu.memory_space<vmem>>, vector<128xf32>
    %reduce_sum3A = arith.constant dense<0.000000e+00> : vector<128xf32>
    %reduce_sum3A_25 = vector.multi_reduction <add>, %add3A_20, %reduce_sum3A [0] : vector<10000x128xf32> to vector<128xf32>
    %broadcast_in_dim3A_26 = vector.shape_cast %reduce_sum3A_25 : vector<128xf32> to vector<1x128xf32>
    %div3A = arith.constant 1.000000e+04 : f32
    %div3A_27 = vector.broadcast %div3A : f32 to vector<1x128xf32>
    %div3A_28 = arith.divf %broadcast_in_dim3A_26, %div3A_27 : vector<1x128xf32>
    %sub3A = vector.broadcast %div3A_28 : vector<1x128xf32> to vector<10000x128xf32>
    %sub3A_29 = arith.subf %add3A_20, %sub3A : vector<10000x128xf32>
    %integer_pow3A = arith.mulf %sub3A_29, %sub3A_29 : vector<10000x128xf32>
    %reduce_sum3A_30 = arith.constant dense<0.000000e+00> : vector<128xf32>
    %reduce_sum3A_31 = vector.multi_reduction <add>, %integer_pow3A, %reduce_sum3A_30 [0] : vector<10000x128xf32> to vector<128xf32>
    %broadcast_in_dim3A_32 = vector.shape_cast %reduce_sum3A_31 : vector<128xf32> to vector<1x128xf32>
    %div3A_33 = arith.constant 1.000000e+04 : f32
    %div3A_34 = vector.broadcast %div3A_33 : f32 to vector<1x128xf32>
    %div3A_35 = arith.divf %broadcast_in_dim3A_32, %div3A_34 : vector<1x128xf32>
    %sub3A_36 = vector.broadcast %div3A_28 : vector<1x128xf32> to vector<10000x128xf32>
    %sub3A_37 = arith.subf %add3A_20, %sub3A_36 : vector<10000x128xf32>
    %add3A_38 = arith.constant 9.99999974E-6 : f32
    %add3A_39 = vector.broadcast %add3A_38 : f32 to vector<1x128xf32>
    %add3A_40 = arith.addf %div3A_35, %add3A_39 : vector<1x128xf32>
    %rsqrt3A = math.rsqrt %add3A_40 : vector<1x128xf32>
    %mul3A_41 = vector.broadcast %rsqrt3A : vector<1x128xf32> to vector<10000x128xf32>
    %mul3A_42 = arith.mulf %sub3A_37, %mul3A_41 : vector<10000x128xf32>
    %broadcast_in_dim3A_43 = vector.shape_cast %get3A_22 : vector<128xf32> to vector<1x128xf32>
    %mul3A_44 = vector.broadcast %broadcast_in_dim3A_43 : vector<1x128xf32> to vector<10000x128xf32>
    %mul3A_45 = arith.mulf %mul3A_42, %mul3A_44 : vector<10000x128xf32>
    %broadcast_in_dim3A_46 = vector.shape_cast %get3A_24 : vector<128xf32> to vector<1x128xf32>
    %add3A_47 = vector.broadcast %broadcast_in_dim3A_46 : vector<1x128xf32> to vector<10000x128xf32>
    %add3A_48 = arith.addf %mul3A_45, %add3A_47 : vector<10000x128xf32>
    %max3A = arith.constant 0.000000e+00 : f32
    %max3A_49 = vector.broadcast %max3A : f32 to vector<10000x128xf32>
    %max3A_50 = arith.maximumf %add3A_48, %max3A_49 : vector<10000x128xf32>
    %iota3A = tpu.iota {dimensions = array<i32: 1>} : vector<10000x64xi32>
    %get3A_51 = arith.constant 0 : index
    %get3A_52 = arith.constant 0 : index
    %get3A_53 = vector.load %arg6[%get3A_51, %get3A_52] : memref<10000x1xi32, #tpu.memory_space<vmem>>, vector<10000x1xi32>
    %eq3A = vector.broadcast %get3A_53 : vector<10000x1xi32> to vector<10000x64xi32>
    %eq3A_54 = arith.cmpi eq, %eq3A, %iota3A : vector<10000x64xi32>
    %convert_element_type3A = arith.extui %eq3A_54 : vector<10000x64xi1> to vector<10000x64xi32>
    %convert_element_type3A_55 = arith.sitofp %convert_element_type3A : vector<10000x64xi32> to vector<10000x64xf32>
    %dot_general3A = arith.constant dense<0.000000e+00> : vector<64x128xf32>
    %dot_general3A_56 = tpu.matmul %convert_element_type3A_55, %max3A_50, %dot_general3A {dimension_numbers = #tpu.dot_dimension_numbers<[0], [0], [1], [1], [0, 1, 1, 1], [], []>, transpose_lhs_hint = false} : vector<10000x64xf32>, vector<10000x128xf32>, vector<64x128xf32> -> vector<64x128xf32>
    %broadcast_in_dim3A_57 = arith.constant 1.000000e+00 : f32
    %broadcast_in_dim3A_58 = vector.broadcast %broadcast_in_dim3A_57 : f32 to vector<10000x1xf32>
    %dot_general3A_59 = arith.constant dense<0.000000e+00> : vector<64x1xf32>
    %dot_general3A_60 = tpu.matmul %convert_element_type3A_55, %broadcast_in_dim3A_58, %dot_general3A_59 {dimension_numbers = #tpu.dot_dimension_numbers<[0], [0], [1], [1], [0, 1, 1, 1], [], []>, transpose_lhs_hint = false} : vector<10000x64xf32>, vector<10000x1xf32>, vector<64x1xf32> -> vector<64x1xf32>
    %max3A_61 = arith.constant 1.000000e+00 : f32
    %max3A_62 = vector.broadcast %max3A_61 : f32 to vector<64x1xf32>
    %max3A_63 = arith.maximumf %dot_general3A_60, %max3A_62 : vector<64x1xf32>
    %div3A_64 = vector.broadcast %max3A_63 : vector<64x1xf32> to vector<64x128xf32>
    %div3A_65 = arith.divf %dot_general3A_56, %div3A_64 : vector<64x128xf32>
    %get3A_66 = arith.constant 0 : index
    %get3A_67 = arith.constant 0 : index
    %get3A_68 = vector.load %arg7[%get3A_66, %get3A_67] : memref<128x128xf32, #tpu.memory_space<vmem>>, vector<128x128xf32>
    %dot_general3A_69 = arith.constant dense<0.000000e+00> : vector<64x128xf32>
    %dot_general3A_70 = tpu.matmul %div3A_65, %get3A_68, %dot_general3A_69 {dimension_numbers = #tpu.dot_dimension_numbers<[1], [0], [0], [1], [0, 0, 1, 1], [], []>, transpose_lhs_hint = false} : vector<64x128xf32>, vector<128x128xf32>, vector<64x128xf32> -> vector<64x128xf32>
    %get3A_71 = arith.constant 0 : index
    %get3A_72 = vector.load %arg8[%get3A_71] : memref<128xf32, #tpu.memory_space<vmem>>, vector<128xf32>
    %broadcast_in_dim3A_73 = vector.shape_cast %get3A_72 : vector<128xf32> to vector<1x128xf32>
    %add3A_74 = vector.broadcast %broadcast_in_dim3A_73 : vector<1x128xf32> to vector<64x128xf32>
    %add3A_75 = arith.addf %dot_general3A_70, %add3A_74 : vector<64x128xf32>
    %max3A_76 = arith.constant 0.000000e+00 : f32
    %max3A_77 = vector.broadcast %max3A_76 : f32 to vector<64x128xf32>
    %max3A_78 = arith.maximumf %add3A_75, %max3A_77 : vector<64x128xf32>
    %get3A_79 = arith.constant 0 : index
    %get3A_80 = arith.constant 0 : index
    %get3A_81 = vector.load %arg9[%get3A_79, %get3A_80] : memref<128x128xf32, #tpu.memory_space<vmem>>, vector<128x128xf32>
    %dot_general3A_82 = arith.constant dense<0.000000e+00> : vector<64x128xf32>
    %dot_general3A_83 = tpu.matmul %max3A_78, %get3A_81, %dot_general3A_82 {dimension_numbers = #tpu.dot_dimension_numbers<[1], [0], [0], [1], [0, 0, 1, 1], [], []>, transpose_lhs_hint = false} : vector<64x128xf32>, vector<128x128xf32>, vector<64x128xf32> -> vector<64x128xf32>
    %get3A_84 = arith.constant 0 : index
    %get3A_85 = vector.load %arg10[%get3A_84] : memref<128xf32, #tpu.memory_space<vmem>>, vector<128xf32>
    %broadcast_in_dim3A_86 = vector.shape_cast %get3A_85 : vector<128xf32> to vector<1x128xf32>
    %add3A_87 = vector.broadcast %broadcast_in_dim3A_86 : vector<1x128xf32> to vector<64x128xf32>
    %add3A_88 = arith.addf %dot_general3A_83, %add3A_87 : vector<64x128xf32>
    %swap3A = arith.constant 0 : index
    %swap3A_89 = arith.constant 0 : index
    %swap3A_90 = vector.load %arg11[%swap3A, %swap3A_89] : memref<64x128xf32, #tpu.memory_space<vmem>>, vector<64x128xf32>
    tpu.vector_store %arg11[%swap3A, %swap3A_89], %add3A_88 {strides = array<i32>} : memref<64x128xf32, #tpu.memory_space<vmem>>, vector<64x128xf32>,
    return
  }
}

</mosaic_0001>

<sc_bundles>
// kernel: kernel.10.cloned.1.call-start
scs
__scs_entry_jumppad:
0x0: {  	(pc) =	sbr.rel $0x88, $3  }
0x1: {  	(tag) =	ssettag $0x0;
	lr =	simm.s32 $0x1  }
0x2: {  	[smem:$0x3F8E] =	sst lr;
	_ =	strace $0xD0000000  }
0x3: {  	_ = 	snop  }
0x4: {  	_ = 	snop  }
0x5: {  	_ = 	snop  }
0x6: {  	_ = 	snop  }
0x7: {  	_ = 	snop  }
__scs_overlays_trampoline_lowered:
0x8: {  	[smem:$0x3F9D] =	sst s0  }
0x9: {  	[smem:$0x3F9E] =	sst s1  }
0xa: {  	[smem:$0x3F9F] =	sst s2  }
0xb: {  	[smem:$0x3FA0] =	sst s3  }
0xc: {  	[smem:$0x3FA1] =	sst s4  }
0xd: {  	[smem:$0x3FA2] =	sst s5  }
0xe: {  	[smem:$0x3FA3] =	sst s6  }
0xf: {  	[smem:$0x3FA4] =	sst s7  }
0x10: {  	[smem:$0x3FA5] =	sst s8  }
0x11: {  	[smem:$0x3FA6] =	sst s9;
	s0 =	simm.s32 @!p0 $0x0  }
0x12: {  	s1 =	sld [smem:$0x3F8C];
	s0 =	simm.s32 @p0 $0x1  }
0x13: {  	[smem:$0x3FA7] =	sst s0;
	s0 =	simm.s32 @!p1 $0x0  }
0x14: {  	s2 =	sld [smem:$0x3F8B];
	s0 =	simm.s32 @p1 $0x1  }
0x15: {  	[smem:$0x3FA8] =	sst s0;
	s0 =	simm.s32 @!p2 $0x0  }
0x16: {  	s3 =	sld [smem:$0x3FDB];
	s0 =	simm.s32 @p2 $0x1  }
0x17: {  	s4 =	simm.s32 $0x1BF5;
	[smem:$0x3FAA] =	sst s0  }
0x18: {  	s0 =	sld [smem:$0x3F8D];
	_ =	swait.ge [sflag:s4], $0x0  }
0x19: {  	s7 =	sld [smem:$0x3F8E]  }
0x1a: {  	s8 =	sadd.s32 $0xFFFFE003, lr  }
0x1b: {  	s9 =	sadd.s32 $0xFFFFFEF7, lr;
	s5 =	simm.s32 $0xFFFFFFFF;
	p2 =	slt.u32 s8, $0xFFFFF086  }
0x1c: {  	p1 =	slt.u32 s9, $0xF7A;
	s5 =	simm.s32 @!p2 $0x0  }
0x1d: {  	s5 =	simm.s32 @p1 $0x1;
	p0 =	seq.s32 s7, s2  }
0x1e: {  	s7 =	smul.u32 @!p0 $0xF7A, s2;
	p2 =	seq.s32 @!p0 s5, $0x0  }
0x1f: {  	s9 =	smul.u32 $0xF7A, s1;
	s8 =	simm.s32 @!p0 $0x1BF5;
	p2 =	por !p2, p0  }
0x20: {  	[sflag:s8] =	ssyncset.s32 @!p0 $0xFFFFF086;
	s6 =	sadd.s32 @!p0 s3, s7;
	s7 =	simm.s32 @!p0 $0x108  }
0x21: {  	s3 =	sadd.s32 s3, s9;
	s6 =	sadd.s32 @!p0 $0x88, s6;
	s7 =	simm.s32 @p2 $0x1082  }
0x22: {  	[simem:s7], [sflag:s8] =	dma.local @!p0 [hbm:s6], $0xF7A  }
0x23: {  	s9 =	sor.u32 $0xD0000000, s2;
	s6 =	simm.s32 $0x108;
	_ =	swait.ge @!p0 [sflag:s8], $0x0  }
0x24: {  	s3 =	sadd.s32 $0x88, s3;
	s6 =	simm.s32 @!p1 $0x1082;
	[sflag:s4] =	ssyncset.s32 $0xFFFFF086  }
0x25: {  	[simem:s6], [sflag:s4] =	dma.local [hbm:s3], $0xF7A  }
0x26: {  	[smem:$0x3F8E] =	sst s1;
	(tag) =	ssettag s2;
	_ =	strace s9  }
0x27: {  	s1 =	sld [smem:$0x3F9E]  }
0x28: {  	s2 =	sld [smem:$0x3F9F]  }
0x29: {  	s4 =	sld [smem:$0x3FA1]  }
0x2a: {  	p0 =	seq.s32 s5, $0x0;
	s5 =	sld [smem:$0x3FA2]  }
0x2b: {  	s6 =	sld [smem:$0x3FA3]  }
0x2c: {  	s7 =	sld [smem:$0x3FA4]  }
0x2d: {  	s3 =	simm.s32 $0x108;
	s8 =	sld [smem:$0x3FA5]  }
0x2e: {  	s3 =	simm.s32 @!p0 $0x1082;
	s9 =	sld [smem:$0x3FA6]  }
0x2f: {  	lr =	sadd.s32 s0, s3;
	s0 =	sld [smem:$0x3F9D]  }
0x30: {  	s3 =	sld [smem:$0x3FA0]  }
0x31: {  	[smem:$0x3FA9] =	sst s10  }
0x32: {  	s10 =	sld [smem:$0x3FA7];
	_ =	sdelay $0x3  }
0x33: {  	p0 =	seq.s32 s10, $0x1;
	s10 =	sld [smem:$0x3FA9];
	_ =	sdelay $0x3  }
0x34: {  	[smem:$0x3FA9] =	sst s10  }
0x35: {  	s10 =	sld [smem:$0x3FA8];
	_ =	sdelay $0x3  }
0x36: {  	p1 =	seq.s32 s10, $0x1;
	s10 =	sld [smem:$0x3FA9];
	_ =	sdelay $0x3  }
0x37: {  	[smem:$0x3FA9] =	sst s10  }
0x38: {  	s10 =	sld [smem:$0x3FAA]  }
0x39: {  	_ = 	snop;
	(pc) =	sbr.ind lr, $3  }
0x3a: {  	_ = 	snop  }
0x3b: {  	_ = 	snop  }
0x3c: {  	p2 =	seq.s32 s10, $0x1;
	s10 =	sld [smem:$0x3FA9]  }
0x3d: {  	_ =	shalt  }
0x3e: {  	_ =	shalt  }
0x3f: {  	_ =	shalt  }
0x40: {  	_ =	shalt  }
0x41: {  	_ =	shalt  }
0x42: {  	_ =	shalt  }
0x43: {  	_ =	shalt  }
0x44: {  	_ =	shalt  }
0x45: {  	_ =	shalt  }
0x46: {  	_ =	shalt  }
0x47: {  	_ =	shalt  }
0x48: {  	_ =	shalt  }
0x49: {  	_ =	shalt  }
0x4a: {  	_ =	shalt  }
0x4b: {  	_ =	shalt  }
0x4c: {  	_ =	shalt  }
0x4d: {  	_ =	shalt  }
0x4e: {  	_ =	shalt  }
0x4f: {  	_ =	shalt  }
0x50: {  	_ =	shalt  }
0x51: {  	_ =	shalt  }
0x52: {  	_ =	shalt  }
0x53: {  	_ =	shalt  }
0x54: {  	_ =	shalt  }
0x55: {  	_ =	shalt  }
0x56: {  	_ =	shalt  }
0x57: {  	_ =	shalt  }
0x58: {  	_ =	shalt  }
0x59: {  	_ =	shalt  }
0x5a: {  	_ =	shalt  }
0x5b: {  	_ =	shalt  }
0x5c: {  	_ =	shalt  }
0x5d: {  	_ =	shalt  }
0x5e: {  	_ =	shalt  }
0x5f: {  	_ =	shalt  }
0x60: {  	_ =	shalt  }
0x61: {  	_ =	shalt  }
0x62: {  	_ =	shalt  }
0x63: {  	_ =	shalt  }
0x64: {  	_ =	shalt  }
0x65: {  	_ =	shalt  }
0x66: {  	_ =	shalt  }
0x67: {  	_ =	shalt  }
0x68: {  	_ =	shalt  }
0x69: {  	_ =	shalt  }
0x6a: {  	_ =	shalt  }
0x6b: {  	_ =	shalt  }
0x6c: {  	_ =	shalt  }
0x6d: {  	_ =	shalt  }
0x6e: {  	_ =	shalt  }
0x6f: {  	_ =	shalt  }
0x70: {  	_ =	shalt  }
0x71: {  	_ =	shalt  }
0x72: {  	_ =	shalt  }
0x73: {  	_ =	shalt  }
0x74: {  	_ =	shalt  }
0x75: {  	_ =	shalt  }
0x76: {  	_ =	shalt  }
0x77: {  	_ =	shalt  }
0x78: {  	_ =	shalt  }
0x79: {  	_ =	shalt  }
0x7a: {  	_ =	shalt  }
0x7b: {  	_ =	shalt  }
0x7c: {  	_ =	shalt  }
0x7d: {  	_ =	shalt  }
0x7e: {  	_ =	shalt  }
0x7f: {  	_ =	shalt  }
0x80: {  	_ =	shalt  }
0x81: {  	_ =	shalt  }
0x82: {  	_ =	shalt  }
0x83: {  	_ =	shalt  }
0x84: {  	_ =	shalt  }
0x85: {  	_ =	shalt  }
0x86: {  	_ =	shalt  }
0x87: {  	_ =	shalt  }
.Lfunc_end0:
.L_simem_size_0:
called_computation_lowered:
.L_overlay_start_0:
0x88: {  	s2 =	sld [smem:$0x3FD9]  }
0x89: {  	s3 =	sld [smem:$0x3FFE];
	_ =	sdelay $0x1  }
0x8a: {  	s1 =	srdreg.scid  }
0x8b: {  	s0 =	sand.u32 $0x1, s1  }
0x8c: {  	s16 =	sshll.u32 s0, $0xA;
	s2 =	sadd.s32 s3, s2  }
0x8d: {  	s2 =	sadd.s32 s2, s16  }
0x8e: {  	[smem:$0x3FB5] =	sst s2  }
0x8f: {  	_ = 	snop  }
0x90: {  	(tm) =	ssettm $0x1  }
0x91: {  	s17 =	sld [smem:$0x3FFB];
	_ =	sdelay $0x3  }
0x92: {  	_ =	strace s17  }
0x93: {  	s2 =	sld [smem:$0x3FFC];
	_ =	sdelay $0x3  }
0x94: {  	_ =	strace s2  }
0x95: {  	s2 =	sld [smem:$0x3FFD];
	_ =	sdelay $0x3  }
0x96: {  	_ =	strace s2  }
0x97: {  	_ =	strace $0x8FFFFFFF  }
0x98: {  	s18 =	sld [smem:$0x3FDB];
	_ =	sdelay $0x1  }
0x99: {  	s19 =	simm.s32 $_scs_section_size  }
0x9a: {  	s4 =	simm.s32 $_size__tile_overlayer_lowered;
	s5 =	simm.s32 $_tile_overlayer_lowered  }
0x9b: {  	s22 =	simm.s32 $0x1BFF;
	s21 =	sshll.u32 s5, $0x1;
	s2 =	sadd.s32 s19, s18  }
0x9c: {  	s6 =	simm.s32 $0x0;
	s20 =	sshll.u32 s4, $0x1;
	s4 =	sadd.s32 s21, s2  }
0x9d: {  	[timem:s6], [sflag:s22] =	dma.local [hbm:s4], s20  }
0x9e: {  	_ =	swait.ge [sflag:s22], s20  }
0x9f: {  	s3 =	ssub.s32 $0x0, s20;
	[sflag:s22] =	ssyncset.done $0x0  }
0xa0: {  	[sflag:s22] =	ssyncadd.s32 s3;
	_ =	sdelay $0x1  }
0xa1: {  	s23 =	simm.s32 $0x1B8B  }
0xa2: {  	_ =	swait.ge [sflag:s23], $0x1  }
0xa3: {  	[sflag:s23] =	ssyncset.done $0x0  }
0xa4: {  	s25 =	simm.s32 $0x1B8E;
	s24 =	sld [smem:$0x3FFE];
	[sflag:s23] =	ssyncadd.s32 $0xFFFFFFFF  }
0xa5: {  	s26 =	simm.s32 $execute0_lowered;
	[smem:$0x3FD2] =	sst s25  }
0xa6: {  	s4 =	sshll.u32 s26, $0x1;
	_ =	strace $0x80000046;
	[dreg:$0x1] =	wrdreg $0xFFFFFFFF  }
0xa7: {  	s28 =	simm.s32 $_size_execute0_lowered;
	s2 =	sadd.s32 s2, s4;
	[dreg:$0x0] =	wrdreg $0x0  }
0xa8: {  	s4 =	sshll.u32 s28, $0x1;
	[dreg:$0x2] =	wrdreg s2  }
0xa9: {  	[dreg:$0x3] =	wrdreg s4  }
0xaa: {  	[dreg:$0x4] =	wrdreg $0xC0  }
0xab: {  	_ =	task [dreg:s6], $0x5FFFF  }
0xac: {  	[dreg:$0x1] =	wrdreg $0xFFFFFFFF  }
0xad: {  	[dreg:$0x0] =	wrdreg $0x60  }
0xae: {  	[dreg:$0x2] =	wrdreg s24  }
0xaf: {  	[dreg:$0x3] =	wrdreg $0x9  }
0xb0: {  	_ =	task.clear_ibuf [dreg:s6], $0x4FFFF;
	_ =	strace $0x90000046  }
0xb1: {  	s29 =	simm.s32 $0x9;
	_ =	strace $0x80000048  }
0xb2: {  	_ =	swait.ge [sflag:s29], $0x1  }
0xb3: {  	[sflag:s29] =	ssyncadd.s32 $0xFFFFFFFF  }
0xb4: {  	_ =	strace $0x90000048  }
0xb5: {  	_ =	sfence  }
0xb6: {  	s30 =	sld [smem:$0x0];
	_ =	sdelay $0x2  }
0xb7: {  	s31 =	sshll.u32 s1, $0xD;
	s1 =	sshrl.u32 s1, $0x2  }
0xb8: {  	s3 =	sand.u32 $0x4000, s31;
	s1 =	sadd.s32 s1, s30  }
0xb9: {  	s0 =	sor.u32 s3, s0;
	s1 =	sshll.u32 s1, $0x11  }
0xba: {  	s0 =	sor.u32 s1, s0  }
0xbb: {  	s0 =	sadd.s32 $0x8F2B, s0  }
0xbc: {  	[sflag:s0] =	ssyncadd.remote.s32 $0x1  }
0xbd: {  	_ =	sfence.sel $0xFFFF  }
0xbe: {  	[dreg:$0x0] =	wrdreg $0xFFFFFFFF;
	(pc) =	sbr.abs _section_cstart, $3  }
0xbf: {  	[dreg:$0x1] =	wrdreg $0xFFFFFFFF  }
0xc0: {  	_ =	task.clear_ibuf [dreg:s6], $0x2FFFF;
	_ =	strace $0x9FFFFFFF  }
0xc1: {  	(tm) =	ssettm $0x7FFFFFFF  }
tec
execute0_lowered:
.L_overlay_start_1:
0x0: {  	(tag) =	ssettag $0x1  }
0x1: {  	s3 =	rddreg [dreg:$0x0];
	s2 =	srdreg.scid  }
0x2: {  	s1 =	stileid.u32;
	s0 =	rddreg [dreg:$0x1];
	s8 =	simm.s32 $0x0  }
0x3: {  	s4 =	sand.u32 $0x1, s2;
	s5 =	smul.u32 $0x5000, s1;
	s7 =	sshll.u32 s1, $0x1  }
0x4: {  	s2 =	simm.s32 $0x0;
	s6 =	smul.u32 $0x2800, s4;
	s7 =	sor.u32 s4, s7  }
0x5: {  	[smem:$0x7FF] =	sst s2;
	s4 =	ssub.s32 $0x2, s4;
	s30 =	smul.u32 $0x4F0, s7  }
0x6: {  	_ =	strace $0x80000047;
	s31 =	sshrl.u32 s4, $0x1;
	s5 =	sadd.s32 s6, s5  }
0x7: {  	s7 =	simm.s32 $0x400;
	s4 =	ssub.s32 s4, s31;
	s5 =	sshrl.u32 s5, $0x3  }
0x8: {  	s6 =	simm.s32 $0x1;
	s5 =	sadd.s32 s5, s3;
	s3 =	sadd.s32 s30, s3  }
0x9: {  	v0 =	vimm.f32 $0.0e+00;
	v1 =	vimm.f32 $1.000000000e+00;
	s4 =	smax.u32 s4, $0x1;
	s3 =	sadd.s32 $0xE000, s3;
	s5 =	sadd.s32 $0x4000, s5  }
.LBB2_1:
0xa: {  	s9 =	simm.s32 $0x0  }
.LBB2_2:
0xb: {  	p0 =	sne.s32 s9, $0x9DC0  }
.Ltmp0:
0xc: {  	_ = 	snop;
	(pc) =	sbr.rel @p0 .LBB2_2-.Ltmp0, $3  }
0xd: {  	_ =	sdelay $0x1  }
0xe: {  	s10 =	sshra.s32 s9, $0x2  }
0xf: {  	s9 =	sadd.s32 $0x40, s9;
	[tilespmem:s10+$0x400] =	vst v0  }
0x10: {  	s9 =	simm.s32 $0x0  }
.LBB2_4:
0x11: {  	s10 =	sadd.s32 s9, s5  }
0x12: {  	[tilespmem:s2], [sflag:$0x1] =	stream.linear.gather [hbm4b:s10+s2], $0x400, $0x38;
	[tilespmem:$0x2B80] =	vst v63  }
0x13: {  	_ =	swait.ge [sflag:s6], $0x400  }
0x14: {  	[sflag:s6] =	ssyncset.done $0x0  }
0x15: {  	[sflag:s6] =	ssyncadd.s32 $0xFFFFFC00  }
0x16: {  	v2 =	vld [tilespmem:$0x0];
	_ =	sdelay $0x7  }
0x17: {  	[tilespmem:v2+s7+$0x0] =	vst.idx.add.f32.msk $0xffff, v1  }
0x18: {  	v2 =	vld [tilespmem:$0x10];
	_ =	sdelay $0x7  }
0x19: {  	[tilespmem:v2+s7+$0x0] =	vst.idx.add.f32.msk $0xffff, v1  }
0x1a: {  	v2 =	vld [tilespmem:$0x20];
	_ =	sdelay $0x7  }
0x1b: {  	[tilespmem:v2+s7+$0x0] =	vst.idx.add.f32.msk $0xffff, v1  }
0x1c: {  	v2 =	vld [tilespmem:$0x30];
	_ =	sdelay $0x7  }
0x1d: {  	[tilespmem:v2+s7+$0x0] =	vst.idx.add.f32.msk $0xffff, v1  }
0x1e: {  	v2 =	vld [tilespmem:$0x40];
	_ =	sdelay $0x7  }
0x1f: {  	[tilespmem:v2+s7+$0x0] =	vst.idx.add.f32.msk $0xffff, v1  }
0x20: {  	v2 =	vld [tilespmem:$0x50];
	_ =	sdelay $0x7  }
0x21: {  	[tilespmem:v2+s7+$0x0] =	vst.idx.add.f32.msk $0xffff, v1  }
0x22: {  	v2 =	vld [tilespmem:$0x60];
	_ =	sdelay $0x7  }
0x23: {  	[tilespmem:v2+s7+$0x0] =	vst.idx.add.f32.msk $0xffff, v1  }
0x24: {  	v2 =	vld [tilespmem:$0x70];
	_ =	sdelay $0x7  }
0x25: {  	[tilespmem:v2+s7+$0x0] =	vst.idx.add.f32.msk $0xffff, v1  }
0x26: {  	v2 =	vld [tilespmem:$0x80];
	_ =	sdelay $0x7  }
0x27: {  	[tilespmem:v2+s7+$0x0] =	vst.idx.add.f32.msk $0xffff, v1  }
0x28: {  	v2 =	vld [tilespmem:$0x90];
	_ =	sdelay $0x7  }
0x29: {  	[tilespmem:v2+s7+$0x0] =	vst.idx.add.f32.msk $0xffff, v1  }
0x2a: {  	v2 =	vld [tilespmem:$0xA0];
	_ =	sdelay $0x7  }
0x2b: {  	[tilespmem:v2+s7+$0x0] =	vst.idx.add.f32.msk $0xffff, v1  }
0x2c: {  	v2 =	vld [tilespmem:$0xB0];
	_ =	sdelay $0x7  }
0x2d: {  	[tilespmem:v2+s7+$0x0] =	vst.idx.add.f32.msk $0xffff, v1  }
0x2e: {  	v2 =	vld [tilespmem:$0xC0];
	_ =	sdelay $0x7  }
0x2f: {  	[tilespmem:v2+s7+$0x0] =	vst.idx.add.f32.msk $0xffff, v1  }
0x30: {  	v2 =	vld [tilespmem:$0xD0];
	_ =	sdelay $0x7  }
0x31: {  	[tilespmem:v2+s7+$0x0] =	vst.idx.add.f32.msk $0xffff, v1  }
0x32: {  	v2 =	vld [tilespmem:$0xE0];
	_ =	sdelay $0x7  }
0x33: {  	[tilespmem:v2+s7+$0x0] =	vst.idx.add.f32.msk $0xffff, v1  }
0x34: {  	v2 =	vld [tilespmem:$0xF0];
	_ =	sdelay $0x7  }
0x35: {  	[tilespmem:v2+s7+$0x0] =	vst.idx.add.f32.msk $0xffff, v1  }
0x36: {  	v2 =	vld [tilespmem:$0x100];
	_ =	sdelay $0x7  }
0x37: {  	[tilespmem:v2+s7+$0x0] =	vst.idx.add.f32.msk $0xffff, v1  }
0x38: {  	v2 =	vld [tilespmem:$0x110];
	_ =	sdelay $0x7  }
0x39: {  	[tilespmem:v2+s7+$0x0] =	vst.idx.add.f32.msk $0xffff, v1  }
0x3a: {  	v2 =	vld [tilespmem:$0x120];
	_ =	sdelay $0x7  }
0x3b: {  	[tilespmem:v2+s7+$0x0] =	vst.idx.add.f32.msk $0xffff, v1  }
0x3c: {  	v2 =	vld [tilespmem:$0x130];
	_ =	sdelay $0x7  }
0x3d: {  	[tilespmem:v2+s7+$0x0] =	vst.idx.add.f32.msk $0xffff, v1  }
0x3e: {  	v2 =	vld [tilespmem:$0x140];
	_ =	sdelay $0x7  }
0x3f: {  	[tilespmem:v2+s7+$0x0] =	vst.idx.add.f32.msk $0xffff, v1  }
0x40: {  	v2 =	vld [tilespmem:$0x150];
	_ =	sdelay $0x7  }
0x41: {  	[tilespmem:v2+s7+$0x0] =	vst.idx.add.f32.msk $0xffff, v1  }
0x42: {  	v2 =	vld [tilespmem:$0x160];
	_ =	sdelay $0x7  }
0x43: {  	[tilespmem:v2+s7+$0x0] =	vst.idx.add.f32.msk $0xffff, v1  }
0x44: {  	v2 =	vld [tilespmem:$0x170];
	_ =	sdelay $0x7  }
0x45: {  	[tilespmem:v2+s7+$0x0] =	vst.idx.add.f32.msk $0xffff, v1  }
0x46: {  	v2 =	vld [tilespmem:$0x180];
	_ =	sdelay $0x7  }
0x47: {  	[tilespmem:v2+s7+$0x0] =	vst.idx.add.f32.msk $0xffff, v1  }
0x48: {  	v2 =	vld [tilespmem:$0x190];
	_ =	sdelay $0x7  }
0x49: {  	[tilespmem:v2+s7+$0x0] =	vst.idx.add.f32.msk $0xffff, v1  }
0x4a: {  	v2 =	vld [tilespmem:$0x1A0];
	_ =	sdelay $0x7  }
0x4b: {  	[tilespmem:v2+s7+$0x0] =	vst.idx.add.f32.msk $0xffff, v1  }
0x4c: {  	v2 =	vld [tilespmem:$0x1B0];
	_ =	sdelay $0x7  }
0x4d: {  	[tilespmem:v2+s7+$0x0] =	vst.idx.add.f32.msk $0xffff, v1  }
0x4e: {  	v2 =	vld [tilespmem:$0x1C0];
	_ =	sdelay $0x7  }
0x4f: {  	[tilespmem:v2+s7+$0x0] =	vst.idx.add.f32.msk $0xffff, v1  }
0x50: {  	v2 =	vld [tilespmem:$0x1D0];
	_ =	sdelay $0x7  }
0x51: {  	[tilespmem:v2+s7+$0x0] =	vst.idx.add.f32.msk $0xffff, v1  }
0x52: {  	v2 =	vld [tilespmem:$0x1E0];
	_ =	sdelay $0x7  }
0x53: {  	[tilespmem:v2+s7+$0x0] =	vst.idx.add.f32.msk $0xffff, v1  }
0x54: {  	v2 =	vld [tilespmem:$0x1F0];
	_ =	sdelay $0x7  }
0x55: {  	[tilespmem:v2+s7+$0x0] =	vst.idx.add.f32.msk $0xffff, v1  }
0x56: {  	v2 =	vld [tilespmem:$0x200];
	_ =	sdelay $0x7  }
0x57: {  	[tilespmem:v2+s7+$0x0] =	vst.idx.add.f32.msk $0xffff, v1  }
0x58: {  	v2 =	vld [tilespmem:$0x210];
	_ =	sdelay $0x7  }
0x59: {  	[tilespmem:v2+s7+$0x0] =	vst.idx.add.f32.msk $0xffff, v1  }
0x5a: {  	v2 =	vld [tilespmem:$0x220];
	_ =	sdelay $0x7  }
0x5b: {  	[tilespmem:v2+s7+$0x0] =	vst.idx.add.f32.msk $0xffff, v1  }
0x5c: {  	v2 =	vld [tilespmem:$0x230];
	_ =	sdelay $0x7  }
0x5d: {  	[tilespmem:v2+s7+$0x0] =	vst.idx.add.f32.msk $0xffff, v1  }
0x5e: {  	v2 =	vld [tilespmem:$0x240];
	_ =	sdelay $0x7  }
0x5f: {  	[tilespmem:v2+s7+$0x0] =	vst.idx.add.f32.msk $0xffff, v1  }
0x60: {  	v2 =	vld [tilespmem:$0x250];
	_ =	sdelay $0x7  }
0x61: {  	[tilespmem:v2+s7+$0x0] =	vst.idx.add.f32.msk $0xffff, v1  }
0x62: {  	v2 =	vld [tilespmem:$0x260];
	_ =	sdelay $0x7  }
0x63: {  	[tilespmem:v2+s7+$0x0] =	vst.idx.add.f32.msk $0xffff, v1  }
0x64: {  	v2 =	vld [tilespmem:$0x270];
	_ =	sdelay $0x7  }
0x65: {  	[tilespmem:v2+s7+$0x0] =	vst.idx.add.f32.msk $0xffff, v1  }
0x66: {  	v2 =	vld [tilespmem:$0x280];
	_ =	sdelay $0x7  }
0x67: {  	[tilespmem:v2+s7+$0x0] =	vst.idx.add.f32.msk $0xffff, v1  }
0x68: {  	v2 =	vld [tilespmem:$0x290];
	_ =	sdelay $0x7  }
0x69: {  	[tilespmem:v2+s7+$0x0] =	vst.idx.add.f32.msk $0xffff, v1  }
0x6a: {  	v2 =	vld [tilespmem:$0x2A0];
	_ =	sdelay $0x7  }
0x6b: {  	[tilespmem:v2+s7+$0x0] =	vst.idx.add.f32.msk $0xffff, v1  }
0x6c: {  	v2 =	vld [tilespmem:$0x2B0];
	_ =	sdelay $0x7  }
0x6d: {  	[tilespmem:v2+s7+$0x0] =	vst.idx.add.f32.msk $0xffff, v1  }
0x6e: {  	v2 =	vld [tilespmem:$0x2C0];
	_ =	sdelay $0x7  }
0x6f: {  	[tilespmem:v2+s7+$0x0] =	vst.idx.add.f32.msk $0xffff, v1  }
0x70: {  	v2 =	vld [tilespmem:$0x2D0];
	_ =	sdelay $0x7  }
0x71: {  	[tilespmem:v2+s7+$0x0] =	vst.idx.add.f32.msk $0xffff, v1  }
0x72: {  	v2 =	vld [tilespmem:$0x2E0];
	_ =	sdelay $0x7  }
0x73: {  	[tilespmem:v2+s7+$0x0] =	vst.idx.add.f32.msk $0xffff, v1  }
0x74: {  	v2 =	vld [tilespmem:$0x2F0];
	_ =	sdelay $0x7  }
0x75: {  	[tilespmem:v2+s7+$0x0] =	vst.idx.add.f32.msk $0xffff, v1  }
0x76: {  	v2 =	vld [tilespmem:$0x300];
	_ =	sdelay $0x7  }
0x77: {  	[tilespmem:v2+s7+$0x0] =	vst.idx.add.f32.msk $0xffff, v1  }
0x78: {  	v2 =	vld [tilespmem:$0x310];
	_ =	sdelay $0x7  }
0x79: {  	[tilespmem:v2+s7+$0x0] =	vst.idx.add.f32.msk $0xffff, v1  }
0x7a: {  	v2 =	vld [tilespmem:$0x320];
	_ =	sdelay $0x7  }
0x7b: {  	[tilespmem:v2+s7+$0x0] =	vst.idx.add.f32.msk $0xffff, v1  }
0x7c: {  	v2 =	vld [tilespmem:$0x330];
	_ =	sdelay $0x7  }
0x7d: {  	[tilespmem:v2+s7+$0x0] =	vst.idx.add.f32.msk $0xffff, v1  }
0x7e: {  	v2 =	vld [tilespmem:$0x340];
	_ =	sdelay $0x7  }
0x7f: {  	[tilespmem:v2+s7+$0x0] =	vst.idx.add.f32.msk $0xffff, v1  }
0x80: {  	v2 =	vld [tilespmem:$0x350];
	_ =	sdelay $0x7  }
0x81: {  	[tilespmem:v2+s7+$0x0] =	vst.idx.add.f32.msk $0xffff, v1  }
0x82: {  	v2 =	vld [tilespmem:$0x360];
	_ =	sdelay $0x7  }
0x83: {  	[tilespmem:v2+s7+$0x0] =	vst.idx.add.f32.msk $0xffff, v1  }
0x84: {  	v2 =	vld [tilespmem:$0x370];
	_ =	sdelay $0x7  }
0x85: {  	[tilespmem:v2+s7+$0x0] =	vst.idx.add.f32.msk $0xffff, v1  }
0x86: {  	v2 =	vld [tilespmem:$0x380];
	_ =	sdelay $0x7  }
0x87: {  	[tilespmem:v2+s7+$0x0] =	vst.idx.add.f32.msk $0xffff, v1  }
0x88: {  	v2 =	vld [tilespmem:$0x390];
	_ =	sdelay $0x7  }
0x89: {  	[tilespmem:v2+s7+$0x0] =	vst.idx.add.f32.msk $0xffff, v1  }
0x8a: {  	v2 =	vld [tilespmem:$0x3A0];
	_ =	sdelay $0x7  }
0x8b: {  	[tilespmem:v2+s7+$0x0] =	vst.idx.add.f32.msk $0xffff, v1  }
0x8c: {  	v2 =	vld [tilespmem:$0x3B0];
	_ =	sdelay $0x7  }
0x8d: {  	[tilespmem:v2+s7+$0x0] =	vst.idx.add.f32.msk $0xffff, v1  }
0x8e: {  	v2 =	vld [tilespmem:$0x3C0];
	_ =	sdelay $0x7  }
0x8f: {  	[tilespmem:v2+s7+$0x0] =	vst.idx.add.f32.msk $0xffff, v1  }
0x90: {  	v2 =	vld [tilespmem:$0x3D0];
	_ =	sdelay $0x7  }
0x91: {  	[tilespmem:v2+s7+$0x0] =	vst.idx.add.f32.msk $0xffff, v1  }
0x92: {  	v2 =	vld [tilespmem:$0x3E0];
	_ =	sdelay $0x7  }
0x93: {  	[tilespmem:v2+s7+$0x0] =	vst.idx.add.f32.msk $0xffff, v1  }
0x94: {  	v2 =	vld [tilespmem:$0x3F0];
	_ =	sdelay $0x2  }
0x95: {  	p0 =	sne.s32 s9, $0x480  }
.Ltmp1:
0x96: {  	_ = 	snop;
	(pc) =	sbr.rel @p0 .LBB2_4-.Ltmp1, $2  }
0x97: {  	_ =	sdelay $0x2  }
0x98: {  	s9 =	sadd.s32 $0x80, s9;
	[tilespmem:v2+s7+$0x0] =	vst.idx.add.f32.msk $0xffff, v1  }
0x99: {  	s8 =	sadd.s32 $0x1, s8  }
0x9a: {  	p0 =	sne.s32 s8, s4  }
.Ltmp2:
0x9b: {  	_ = 	snop;
	(pc) =	sbr.rel @p0 .LBB2_1-.Ltmp2, $4  }
0x9c: {  	[hbm4b:s3+s2] =	stream.linear.scatter [tilespmem:s7], [sflag:$0x1], $0x2780, $0x38;
	[tilespmem:$0x2B80] =	vst v63  }
0x9d: {  	_ =	swait.ge [sflag:s6], $0x2780  }
0x9e: {  	[sflag:s6] =	ssyncset.done $0x0  }
0x9f: {  	[sflag:s6] =	ssyncadd.s32 $0xFFFFD880  }
0xa0: {  	_ =	sfence.sel $0x180000  }
0xa1: {  	[bflag:$0x0] =	sbarrier.arrive $0xFFFF  }
0xa2: {  	p0 =	sne.s32 s1, $0x0;
	_ =	strace $0x90000047  }
0xa3: {  	s0 =	sadd.s32 @!p0 $0x100000, s0;
	[bflag:$0x2] =	sbarrier.arrive $0xFFFF  }
0xa4: {  	[sflag:s0] =	ssyncadd.tile.s32 @!p0 $0x1;
	_ =	shalt  }
.Lfunc_end2:
_tile_overlayer_lowered:
.L_overlay_start_2:
0xa5: {  	(tag) =	ssettag $0x2  }
0xa6: {  	s0 =	rddreg [dreg:$0x0];
	s2 =	stileid.u32  }
0xa7: {  	s1 =	rddreg [dreg:$0x1];
	p0 =	sne.s32 s2, $0x0  }
0xa8: {  	s3 =	rddreg [dreg:$0x2];
	[bflag:$0x3] =	sbarrier.arrive $0xFFFF;
	s2 =	simm.s32 @!p0 $0x1C01  }
0xa9: {  	[timem:s3], [sflag:s2] =	dma.local @!p0 [hbm:s0], s1  }
0xaa: {  	s0 =	simm.s32 @!p0 $0x1  }
0xab: {  	_ =	swait.ge @!p0 [sflag:s0], s1  }
0xac: {  	s1 =	ssub.s32 @!p0 $0x0, s1;
	[sflag:s0] =	ssyncset.done @!p0 $0x0  }
0xad: {  	[sflag:s0] =	ssyncadd.s32 @!p0 s1  }
0xae: {  	[bflag:$0x3] =	sbarrier.arrive $0xFFFF  }
0xaf: {  	_ =	shalt  }

// kernel: kernel.13.cloned.1.call-start
scs
__scs_entry_jumppad:
0x0: {  	(pc) =	sbr.rel $0x88, $3  }
0x1: {  	(tag) =	ssettag $0x0;
	lr =	simm.s32 $0x1  }
0x2: {  	[smem:$0x3F8E] =	sst lr;
	_ =	strace $0xD0000000  }
0x3: {  	_ = 	snop  }
0x4: {  	_ = 	snop  }
0x5: {  	_ = 	snop  }
0x6: {  	_ = 	snop  }
0x7: {  	_ = 	snop  }
__scs_overlays_trampoline_lowered:
0x8: {  	[smem:$0x3F9D] =	sst s0  }
0x9: {  	[smem:$0x3F9E] =	sst s1  }
0xa: {  	[smem:$0x3F9F] =	sst s2  }
0xb: {  	[smem:$0x3FA0] =	sst s3  }
0xc: {  	[smem:$0x3FA1] =	sst s4  }
0xd: {  	[smem:$0x3FA2] =	sst s5  }
0xe: {  	[smem:$0x3FA3] =	sst s6  }
0xf: {  	[smem:$0x3FA4] =	sst s7  }
0x10: {  	[smem:$0x3FA5] =	sst s8  }
0x11: {  	[smem:$0x3FA6] =	sst s9;
	s0 =	simm.s32 @!p0 $0x0  }
0x12: {  	s1 =	sld [smem:$0x3F8C];
	s0 =	simm.s32 @p0 $0x1  }
0x13: {  	[smem:$0x3FA7] =	sst s0;
	s0 =	simm.s32 @!p1 $0x0  }
0x14: {  	s2 =	sld [smem:$0x3F8B];
	s0 =	simm.s32 @p1 $0x1  }
0x15: {  	[smem:$0x3FA8] =	sst s0;
	s0 =	simm.s32 @!p2 $0x0  }
0x16: {  	s3 =	sld [smem:$0x3FDB];
	s0 =	simm.s32 @p2 $0x1  }
0x17: {  	s4 =	simm.s32 $0x1BF5;
	[smem:$0x3FAA] =	sst s0  }
0x18: {  	s0 =	sld [smem:$0x3F8D];
	_ =	swait.ge [sflag:s4], $0x0  }
0x19: {  	s7 =	sld [smem:$0x3F8E]  }
0x1a: {  	s8 =	sadd.s32 $0xFFFFE003, lr  }
0x1b: {  	s9 =	sadd.s32 $0xFFFFFEF7, lr;
	s5 =	simm.s32 $0xFFFFFFFF;
	p2 =	slt.u32 s8, $0xFFFFF086  }
0x1c: {  	p1 =	slt.u32 s9, $0xF7A;
	s5 =	simm.s32 @!p2 $0x0  }
0x1d: {  	s5 =	simm.s32 @p1 $0x1;
	p0 =	seq.s32 s7, s2  }
0x1e: {  	s7 =	smul.u32 @!p0 $0xF7A, s2;
	p2 =	seq.s32 @!p0 s5, $0x0  }
0x1f: {  	s9 =	smul.u32 $0xF7A, s1;
	s8 =	simm.s32 @!p0 $0x1BF5;
	p2 =	por !p2, p0  }
0x20: {  	[sflag:s8] =	ssyncset.s32 @!p0 $0xFFFFF086;
	s6 =	sadd.s32 @!p0 s3, s7;
	s7 =	simm.s32 @!p0 $0x108  }
0x21: {  	s3 =	sadd.s32 s3, s9;
	s6 =	sadd.s32 @!p0 $0x88, s6;
	s7 =	simm.s32 @p2 $0x1082  }
0x22: {  	[simem:s7], [sflag:s8] =	dma.local @!p0 [hbm:s6], $0xF7A  }
0x23: {  	s9 =	sor.u32 $0xD0000000, s2;
	s6 =	simm.s32 $0x108;
	_ =	swait.ge @!p0 [sflag:s8], $0x0  }
0x24: {  	s3 =	sadd.s32 $0x88, s3;
	s6 =	simm.s32 @!p1 $0x1082;
	[sflag:s4] =	ssyncset.s32 $0xFFFFF086  }
0x25: {  	[simem:s6], [sflag:s4] =	dma.local [hbm:s3], $0xF7A  }
0x26: {  	[smem:$0x3F8E] =	sst s1;
	(tag) =	ssettag s2;
	_ =	strace s9  }
0x27: {  	s1 =	sld [smem:$0x3F9E]  }
0x28: {  	s2 =	sld [smem:$0x3F9F]  }
0x29: {  	s4 =	sld [smem:$0x3FA1]  }
0x2a: {  	p0 =	seq.s32 s5, $0x0;
	s5 =	sld [smem:$0x3FA2]  }
0x2b: {  	s6 =	sld [smem:$0x3FA3]  }
0x2c: {  	s7 =	sld [smem:$0x3FA4]  }
0x2d: {  	s3 =	simm.s32 $0x108;
	s8 =	sld [smem:$0x3FA5]  }
0x2e: {  	s3 =	simm.s32 @!p0 $0x1082;
	s9 =	sld [smem:$0x3FA6]  }
0x2f: {  	lr =	sadd.s32 s0, s3;
	s0 =	sld [smem:$0x3F9D]  }
0x30: {  	s3 =	sld [smem:$0x3FA0]  }
0x31: {  	[smem:$0x3FA9] =	sst s10  }
0x32: {  	s10 =	sld [smem:$0x3FA7];
	_ =	sdelay $0x3  }
0x33: {  	p0 =	seq.s32 s10, $0x1;
	s10 =	sld [smem:$0x3FA9];
	_ =	sdelay $0x3  }
0x34: {  	[smem:$0x3FA9] =	sst s10  }
0x35: {  	s10 =	sld [smem:$0x3FA8];
	_ =	sdelay $0x3  }
0x36: {  	p1 =	seq.s32 s10, $0x1;
	s10 =	sld [smem:$0x3FA9];
	_ =	sdelay $0x3  }
0x37: {  	[smem:$0x3FA9] =	sst s10  }
0x38: {  	s10 =	sld [smem:$0x3FAA]  }
0x39: {  	_ = 	snop;
	(pc) =	sbr.ind lr, $3  }
0x3a: {  	_ = 	snop  }
0x3b: {  	_ = 	snop  }
0x3c: {  	p2 =	seq.s32 s10, $0x1;
	s10 =	sld [smem:$0x3FA9]  }
0x3d: {  	_ =	shalt  }
0x3e: {  	_ =	shalt  }
0x3f: {  	_ =	shalt  }
0x40: {  	_ =	shalt  }
0x41: {  	_ =	shalt  }
0x42: {  	_ =	shalt  }
0x43: {  	_ =	shalt  }
0x44: {  	_ =	shalt  }
0x45: {  	_ =	shalt  }
0x46: {  	_ =	shalt  }
0x47: {  	_ =	shalt  }
0x48: {  	_ =	shalt  }
0x49: {  	_ =	shalt  }
0x4a: {  	_ =	shalt  }
0x4b: {  	_ =	shalt  }
0x4c: {  	_ =	shalt  }
0x4d: {  	_ =	shalt  }
0x4e: {  	_ =	shalt  }
0x4f: {  	_ =	shalt  }
0x50: {  	_ =	shalt  }
0x51: {  	_ =	shalt  }
0x52: {  	_ =	shalt  }
0x53: {  	_ =	shalt  }
0x54: {  	_ =	shalt  }
0x55: {  	_ =	shalt  }
0x56: {  	_ =	shalt  }
0x57: {  	_ =	shalt  }
0x58: {  	_ =	shalt  }
0x59: {  	_ =	shalt  }
0x5a: {  	_ =	shalt  }
0x5b: {  	_ =	shalt  }
0x5c: {  	_ =	shalt  }
0x5d: {  	_ =	shalt  }
0x5e: {  	_ =	shalt  }
0x5f: {  	_ =	shalt  }
0x60: {  	_ =	shalt  }
0x61: {  	_ =	shalt  }
0x62: {  	_ =	shalt  }
0x63: {  	_ =	shalt  }
0x64: {  	_ =	shalt  }
0x65: {  	_ =	shalt  }
0x66: {  	_ =	shalt  }
0x67: {  	_ =	shalt  }
0x68: {  	_ =	shalt  }
0x69: {  	_ =	shalt  }
0x6a: {  	_ =	shalt  }
0x6b: {  	_ =	shalt  }
0x6c: {  	_ =	shalt  }
0x6d: {  	_ =	shalt  }
0x6e: {  	_ =	shalt  }
0x6f: {  	_ =	shalt  }
0x70: {  	_ =	shalt  }
0x71: {  	_ =	shalt  }
0x72: {  	_ =	shalt  }
0x73: {  	_ =	shalt  }
0x74: {  	_ =	shalt  }
0x75: {  	_ =	shalt  }
0x76: {  	_ =	shalt  }
0x77: {  	_ =	shalt  }
0x78: {  	_ =	shalt  }
0x79: {  	_ =	shalt  }
0x7a: {  	_ =	shalt  }
0x7b: {  	_ =	shalt  }
0x7c: {  	_ =	shalt  }
0x7d: {  	_ =	shalt  }
0x7e: {  	_ =	shalt  }
0x7f: {  	_ =	shalt  }
0x80: {  	_ =	shalt  }
0x81: {  	_ =	shalt  }
0x82: {  	_ =	shalt  }
0x83: {  	_ =	shalt  }
0x84: {  	_ =	shalt  }
0x85: {  	_ =	shalt  }
0x86: {  	_ =	shalt  }
0x87: {  	_ =	shalt  }
.Lfunc_end0:
.L_simem_size_0:
called_computation.1_lowered:
.L_overlay_start_0:
0x88: {  	s2 =	sld [smem:$0x3FD9]  }
0x89: {  	s3 =	sld [smem:$0x3FFE];
	_ =	sdelay $0x1  }
0x8a: {  	s1 =	srdreg.scid  }
0x8b: {  	s0 =	sand.u32 $0x1, s1  }
0x8c: {  	s16 =	sshll.u32 s0, $0xA;
	s2 =	sadd.s32 s3, s2  }
0x8d: {  	s2 =	sadd.s32 s2, s16  }
0x8e: {  	[smem:$0x3FB5] =	sst s2  }
0x8f: {  	_ = 	snop  }
0x90: {  	(tm) =	ssettm $0x1  }
0x91: {  	s17 =	sld [smem:$0x3FFB];
	_ =	sdelay $0x3  }
0x92: {  	_ =	strace s17  }
0x93: {  	s2 =	sld [smem:$0x3FFC];
	_ =	sdelay $0x3  }
0x94: {  	_ =	strace s2  }
0x95: {  	s2 =	sld [smem:$0x3FFD];
	_ =	sdelay $0x3  }
0x96: {  	_ =	strace s2  }
0x97: {  	_ =	strace $0x8FFFFFFF  }
0x98: {  	s18 =	sld [smem:$0x3FDB];
	_ =	sdelay $0x1  }
0x99: {  	s19 =	simm.s32 $_scs_section_size  }
0x9a: {  	s4 =	simm.s32 $_size__tile_overlayer_lowered;
	s5 =	simm.s32 $_tile_overlayer_lowered  }
0x9b: {  	s22 =	simm.s32 $0x1BFF;
	s21 =	sshll.u32 s5, $0x1;
	s2 =	sadd.s32 s19, s18  }
0x9c: {  	s6 =	simm.s32 $0x0;
	s20 =	sshll.u32 s4, $0x1;
	s4 =	sadd.s32 s21, s2  }
0x9d: {  	[timem:s6], [sflag:s22] =	dma.local [hbm:s4], s20  }
0x9e: {  	_ =	swait.ge [sflag:s22], s20  }
0x9f: {  	s3 =	ssub.s32 $0x0, s20;
	[sflag:s22] =	ssyncset.done $0x0  }
0xa0: {  	[sflag:s22] =	ssyncadd.s32 s3;
	_ =	sdelay $0x1  }
0xa1: {  	s23 =	simm.s32 $0x1B8B  }
0xa2: {  	_ =	swait.ge [sflag:s23], $0x1  }
0xa3: {  	[sflag:s23] =	ssyncset.done $0x0  }
0xa4: {  	s25 =	simm.s32 $0x1B8E;
	s24 =	sld [smem:$0x3FFE];
	[sflag:s23] =	ssyncadd.s32 $0xFFFFFFFF  }
0xa5: {  	s26 =	simm.s32 $execute0_lowered;
	[smem:$0x3FD2] =	sst s25  }
0xa6: {  	s4 =	sshll.u32 s26, $0x1;
	_ =	strace $0x80000049;
	[dreg:$0x1] =	wrdreg $0xFFFFFFFF  }
0xa7: {  	s28 =	simm.s32 $_size_execute0_lowered;
	s2 =	sadd.s32 s2, s4;
	[dreg:$0x0] =	wrdreg $0x0  }
0xa8: {  	s4 =	sshll.u32 s28, $0x1;
	[dreg:$0x2] =	wrdreg s2  }
0xa9: {  	[dreg:$0x3] =	wrdreg s4  }
0xaa: {  	[dreg:$0x4] =	wrdreg $0xC0  }
0xab: {  	_ =	task [dreg:s6], $0x5FFFF  }
0xac: {  	[dreg:$0x1] =	wrdreg $0xFFFFFFFF  }
0xad: {  	[dreg:$0x0] =	wrdreg $0x60  }
0xae: {  	[dreg:$0x2] =	wrdreg s24  }
0xaf: {  	[dreg:$0x3] =	wrdreg $0x41000  }
0xb0: {  	[dreg:$0x4] =	wrdreg $0x9  }
0xb1: {  	_ =	task.clear_ibuf [dreg:s6], $0x5FFFF;
	_ =	strace $0x90000049  }
0xb2: {  	s29 =	simm.s32 $0x9;
	_ =	strace $0x8000004B  }
0xb3: {  	_ =	swait.ge [sflag:s29], $0x1  }
0xb4: {  	[sflag:s29] =	ssyncadd.s32 $0xFFFFFFFF  }
0xb5: {  	_ =	strace $0x9000004B  }
0xb6: {  	_ =	sfence  }
0xb7: {  	s30 =	sld [smem:$0x0];
	_ =	sdelay $0x2  }
0xb8: {  	s31 =	sshll.u32 s1, $0xD;
	s1 =	sshrl.u32 s1, $0x2  }
0xb9: {  	s3 =	sand.u32 $0x4000, s31;
	s1 =	sadd.s32 s1, s30  }
0xba: {  	s0 =	sor.u32 s3, s0;
	s1 =	sshll.u32 s1, $0x11  }
0xbb: {  	s0 =	sor.u32 s1, s0  }
0xbc: {  	s0 =	sadd.s32 $0x8F2B, s0  }
0xbd: {  	[sflag:s0] =	ssyncadd.remote.s32 $0x1  }
0xbe: {  	_ =	sfence.sel $0xFFFF  }
0xbf: {  	[dreg:$0x0] =	wrdreg $0xFFFFFFFF;
	(pc) =	sbr.abs _section_cstart, $3  }
0xc0: {  	[dreg:$0x1] =	wrdreg $0xFFFFFFFF  }
0xc1: {  	_ =	task.clear_ibuf [dreg:s6], $0x2FFFF;
	_ =	strace $0x9FFFFFFF  }
0xc2: {  	(tm) =	ssettm $0x7FFFFFFF  }
0xc3: {  	_ =	shalt  }
tec
execute0_lowered:
.L_overlay_start_1:
0x0: {  	(tag) =	ssettag $0x1  }
0x1: {  	s5 =	rddreg [dreg:$0x0]  }
0x2: {  	s2 =	rddreg [dreg:$0x1]  }
0x3: {  	s0 =	rddreg [dreg:$0x2];
	s1 =	stileid.u32  }
0x4: {  	s4 =	srdreg.scid;
	s3 =	simm.s32 $0x0;
	s12 =	simm.s32 $0x2  }
0x5: {  	s13 =	simm.s32 $0x80;
	s14 =	simm.s32 $0x100;
	s6 =	smul.u32 $0xA00, s1  }
0x6: {  	s15 =	simm.s32 $0x1;
	s16 =	simm.s32 $0x0;
	s7 =	smul.u32 $0x13C00, s1  }
0x7: {  	s8 =	sand.u32 $0x1, s4;
	[smem:$0x7FF] =	sst s3;
	s11 =	smul.u32 $0x4F000, s1  }
0x8: {  	s4 =	sadd.s32 $0x21E00, s5;
	s31 =	sshll.u32 s1, $0x6;
	s9 =	smul.u32 $0x13C000, s8  }
0x9: {  	_ =	strace $0x8000004A;
	s28 =	ssub.s32 $0x2, s8;
	s8 =	smul.u32 $0x500, s8  }
0xa: {  	s10 =	sadd.s32 s6, s5;
	s26 =	sshrl.u32 s7, $0x3;
	s29 =	sshrl.u32 s28, $0x1  }
0xb: {  	s30 =	sshrl.u32 s11, $0x2;
	s7 =	sadd.s32 s7, s9;
	s6 =	sadd.s32 s26, s5  }
0xc: {  	s9 =	ssub.s32 s28, s29;
	s11 =	sadd.s32 s30, s2;
	s10 =	sadd.s32 s8, s10  }
0xd: {  	s7 =	sshrl.u32 s7, $0x3;
	s8 =	smax.u32 s9, $0x1;
	s9 =	sadd.s32 $0x4000, s10  }
0xe: {  	s10 =	sadd.s32 $0x17E00, s10;
	s11 =	sshrl.u32 s11, $0x3;
	s7 =	sadd.s32 s7, s5  }
0xf: {  	s5 =	sadd.s32 $0x49000, s6;
	s6 =	sor.u32 $0x1C02, s31;
	s7 =	sadd.s32 $0x70800, s7  }
.LBB2_1:
0x10: {  	[spmem:s11], [sflag:s6] =	dma.local [hbm:s5], $0x2780  }
0x11: {  	_ =	swait.ge [sflag:s12], $0x2780  }
0x12: {  	[sflag:s12] =	ssyncset.done $0x0  }
0x13: {  	[sflag:s12] =	ssyncadd.s32 $0xFFFFD880  }
0x14: {  	s17 =	sadd.s32 $0x0, s10;
	[bflag:$0x0] =	sbarrier.arrive $0xFFFF  }
0x15: {  	[tilespmem:s3], [sflag:$0x2] =	stream.linear.gather [hbm4b:s17+s3], $0x80, $0x38;
	[tilespmem:$0x17D00] =	vst v63  }
0x16: {  	_ =	swait.ge [sflag:s12], $0x80  }
0x17: {  	[sflag:s12] =	ssyncset.done $0x0  }
0x18: {  	s31 =	sadd.s32 $0x0, s9;
	[sflag:s12] =	ssyncadd.s32 $0xFFFFFF80  }
0x19: {  	[tilespmem:s13], [sflag:$0x2] =	stream.linear.gather [hbm4b:s31+s3], $0x80, $0x38;
	[tilespmem:$0x17D00] =	vst v63  }
0x1a: {  	_ =	swait.ge [sflag:s12], $0x80  }
0x1b: {  	[sflag:s12] =	ssyncset.done $0x0  }
0x1c: {  	[sflag:s12] =	ssyncadd.s32 $0xFFFFFF80  }
0x1d: {  	[tilespmem:s14], [sflag:$0x1] =	stream.indirect.gather [hbm4b:s4+s13], $0x80, s3, s13, $0xb8;
	[tilespmem:$0x17D00] =	vst v63  }
0x1e: {  	_ =	swait.ge [sflag:s15], $0x4000  }
0x1f: {  	[sflag:s15] =	ssyncset.done $0x0  }
0x20: {  	[sflag:s15] =	ssyncadd.s32 $0xFFFFC000  }
0x21: {  	[spmem:s2] =	stream.indirect.scatter.add.f32 [tilespmem:s14], [sflag:$0x2], $0x80, s13, s13, $0xb8;
	[tilespmem:$0x17D00] =	vst v63  }
0x22: {  	_ =	swait.ge [sflag:s12], $0x4000  }
0x23: {  	s18 =	simm.s32 $0x20;
	s17 =	simm.s32 $0x10;
	[sflag:s12] =	ssyncset.done $0x0  }
.LBB2_2:
0x24: {  	s19 =	sadd.s32 s17, s10  }
0x25: {  	[sflag:s12] =	ssyncadd.s32 $0xFFFFC000;
	s20 =	smov.u32 s18;
	s21 =	sadd.s32 $0x10, s18  }
0x26: {  	[tilespmem:s3], [sflag:$0x2] =	stream.linear.gather [hbm4b:s19+s3], $0x80, $0x38;
	[tilespmem:$0x17D00] =	vst v63  }
0x27: {  	p0 =	sne.s32 s18, $0x4F0;
	_ =	swait.ge [sflag:s12], $0x80  }
0x28: {  	[sflag:s12] =	ssyncset.done $0x0  }
0x29: {  	s18 =	sadd.s32 s17, s9;
	s17 =	smov.u32 s20;
	[sflag:s12] =	ssyncadd.s32 $0xFFFFFF80  }
0x2a: {  	[tilespmem:s13], [sflag:$0x2] =	stream.linear.gather [hbm4b:s18+s3], $0x80, $0x38;
	[tilespmem:$0x17D00] =	vst v63  }
0x2b: {  	_ =	swait.ge [sflag:s12], $0x80  }
0x2c: {  	[sflag:s12] =	ssyncset.done $0x0  }
0x2d: {  	[sflag:s12] =	ssyncadd.s32 $0xFFFFFF80  }
0x2e: {  	[tilespmem:s14], [sflag:$0x1] =	stream.indirect.gather [hbm4b:s4+s13], $0x80, s3, s13, $0xb8;
	[tilespmem:$0x17D00] =	vst v63  }
0x2f: {  	_ =	swait.ge [sflag:s15], $0x4000  }
.Ltmp0:
0x30: {  	[sflag:s15] =	ssyncset.done $0x0;
	(pc) =	sbr.rel @p0 .LBB2_2-.Ltmp0, $4  }
0x31: {  	[sflag:s15] =	ssyncadd.s32 $0xFFFFC000  }
0x32: {  	[spmem:s2] =	stream.indirect.scatter.add.f32 [tilespmem:s14], [sflag:$0x2], $0x80, s13, s13, $0xb8;
	[tilespmem:$0x17D00] =	vst v63  }
0x33: {  	_ =	swait.ge [sflag:s12], $0x4000  }
0x34: {  	s18 =	smov.u32 s21;
	[sflag:s12] =	ssyncset.done $0x0  }
0x35: {  	s18 =	sadd.s32 s17, s10;
	[sflag:s12] =	ssyncadd.s32 $0xFFFFC000  }
0x36: {  	[tilespmem:s3], [sflag:$0x2] =	stream.linear.gather [hbm4b:s18+s3], $0x80, $0x38;
	[tilespmem:$0x17D00] =	vst v63  }
0x37: {  	_ =	swait.ge [sflag:s12], $0x80  }
0x38: {  	[sflag:s12] =	ssyncset.done $0x0  }
0x39: {  	s31 =	sadd.s32 s17, s9;
	[sflag:s12] =	ssyncadd.s32 $0xFFFFFF80  }
0x3a: {  	[tilespmem:s13], [sflag:$0x2] =	stream.linear.gather [hbm4b:s31+s3], $0x80, $0x38;
	[tilespmem:$0x17D00] =	vst v63  }
0x3b: {  	_ =	swait.ge [sflag:s12], $0x80  }
0x3c: {  	[sflag:s12] =	ssyncset.done $0x0  }
0x3d: {  	[sflag:s12] =	ssyncadd.s32 $0xFFFFFF80  }
0x3e: {  	[tilespmem:s14], [sflag:$0x1] =	stream.indirect.gather [hbm4b:s4+s13], $0x80, s3, s13, $0xb8;
	[tilespmem:$0x17D00] =	vst v63  }
0x3f: {  	_ =	swait.ge [sflag:s15], $0x4000  }
0x40: {  	[sflag:s15] =	ssyncset.done $0x0  }
0x41: {  	[sflag:s15] =	ssyncadd.s32 $0xFFFFC000  }
0x42: {  	[spmem:s2] =	stream.indirect.scatter.add.f32 [tilespmem:s14], [sflag:$0x2], $0x80, s13, s13, $0xb8;
	[tilespmem:$0x17D00] =	vst v63  }
0x43: {  	_ =	swait.ge [sflag:s12], $0x4000  }
0x44: {  	s16 =	sadd.s32 $0x1, s16;
	[sflag:s12] =	ssyncset.done $0x0  }
0x45: {  	p0 =	sne.s32 s16, s8;
	[sflag:s12] =	ssyncadd.s32 $0xFFFFC000  }
.Ltmp1:
0x46: {  	[bflag:$0x0] =	sbarrier.arrive $0xFFFF;
	(pc) =	sbr.rel @p0 .LBB2_1-.Ltmp1, $4  }
0x47: {  	[hbm:s7], [sflag:s6] =	dma.local [spmem:s11], $0x2780  }
0x48: {  	_ =	swait.ge [sflag:s12], $0x2780  }
0x49: {  	[sflag:s12] =	ssyncset.done $0x0  }
0x4a: {  	[sflag:s12] =	ssyncadd.s32 $0xFFFFD880  }
0x4b: {  	_ =	sfence.sel $0x180000  }
0x4c: {  	[bflag:$0x0] =	sbarrier.arrive $0xFFFF  }
0x4d: {  	p0 =	sne.s32 s1, $0x0;
	_ =	strace $0x9000004A  }
0x4e: {  	s0 =	sadd.s32 @!p0 $0x100000, s0;
	[bflag:$0x2] =	sbarrier.arrive $0xFFFF  }
0x4f: {  	[sflag:s0] =	ssyncadd.tile.s32 @!p0 $0x1;
	_ =	shalt  }
.Lfunc_end2:
_tile_overlayer_lowered:
.L_overlay_start_2:
0x50: {  	(tag) =	ssettag $0x2  }
0x51: {  	s0 =	rddreg [dreg:$0x0];
	s2 =	stileid.u32  }
0x52: {  	s1 =	rddreg [dreg:$0x1];
	p0 =	sne.s32 s2, $0x0  }
0x53: {  	s3 =	rddreg [dreg:$0x2];
	[bflag:$0x3] =	sbarrier.arrive $0xFFFF;
	s2 =	simm.s32 @!p0 $0x1C02  }
0x54: {  	[timem:s3], [sflag:s2] =	dma.local @!p0 [hbm:s0], s1  }
0x55: {  	s0 =	simm.s32 @!p0 $0x2  }
0x56: {  	_ =	swait.ge @!p0 [sflag:s0], s1  }
0x57: {  	s1 =	ssub.s32 @!p0 $0x0, s1;
	[sflag:s0] =	ssyncset.done @!p0 $0x0  }
0x58: {  	[sflag:s0] =	ssyncadd.s32 @!p0 s1  }
0x59: {  	[bflag:$0x3] =	sbarrier.arrive $0xFFFF  }
0x5a: {  	_ =	shalt  }

// kernel: kernel.16.cloned.1.call-start
scs
__scs_entry_jumppad:
0x0: {  	(pc) =	sbr.rel $0x88, $3  }
0x1: {  	(tag) =	ssettag $0x0;
	lr =	simm.s32 $0x1  }
0x2: {  	[smem:$0x3F8E] =	sst lr;
	_ =	strace $0xD0000000  }
0x3: {  	_ = 	snop  }
0x4: {  	_ = 	snop  }
0x5: {  	_ = 	snop  }
0x6: {  	_ = 	snop  }
0x7: {  	_ = 	snop  }
__scs_overlays_trampoline_lowered:
0x8: {  	[smem:$0x3F9D] =	sst s0  }
0x9: {  	[smem:$0x3F9E] =	sst s1  }
0xa: {  	[smem:$0x3F9F] =	sst s2  }
0xb: {  	[smem:$0x3FA0] =	sst s3  }
0xc: {  	[smem:$0x3FA1] =	sst s4  }
0xd: {  	[smem:$0x3FA2] =	sst s5  }
0xe: {  	[smem:$0x3FA3] =	sst s6  }
0xf: {  	[smem:$0x3FA4] =	sst s7  }
0x10: {  	[smem:$0x3FA5] =	sst s8  }
0x11: {  	[smem:$0x3FA6] =	sst s9;
	s0 =	simm.s32 @!p0 $0x0  }
0x12: {  	s1 =	sld [smem:$0x3F8C];
	s0 =	simm.s32 @p0 $0x1  }
0x13: {  	[smem:$0x3FA7] =	sst s0;
	s0 =	simm.s32 @!p1 $0x0  }
0x14: {  	s2 =	sld [smem:$0x3F8B];
	s0 =	simm.s32 @p1 $0x1  }
0x15: {  	[smem:$0x3FA8] =	sst s0;
	s0 =	simm.s32 @!p2 $0x0  }
0x16: {  	s3 =	sld [smem:$0x3FDB];
	s0 =	simm.s32 @p2 $0x1  }
0x17: {  	s4 =	simm.s32 $0x1BF5;
	[smem:$0x3FAA] =	sst s0  }
0x18: {  	s0 =	sld [smem:$0x3F8D];
	_ =	swait.ge [sflag:s4], $0x0  }
0x19: {  	s7 =	sld [smem:$0x3F8E]  }
0x1a: {  	s8 =	sadd.s32 $0xFFFFE003, lr  }
0x1b: {  	s9 =	sadd.s32 $0xFFFFFEF7, lr;
	s5 =	simm.s32 $0xFFFFFFFF;
	p2 =	slt.u32 s8, $0xFFFFF086  }
0x1c: {  	p1 =	slt.u32 s9, $0xF7A;
	s5 =	simm.s32 @!p2 $0x0  }
0x1d: {  	s5 =	simm.s32 @p1 $0x1;
	p0 =	seq.s32 s7, s2  }
0x1e: {  	s7 =	smul.u32 @!p0 $0xF7A, s2;
	p2 =	seq.s32 @!p0 s5, $0x0  }
0x1f: {  	s9 =	smul.u32 $0xF7A, s1;
	s8 =	simm.s32 @!p0 $0x1BF5;
	p2 =	por !p2, p0  }
0x20: {  	[sflag:s8] =	ssyncset.s32 @!p0 $0xFFFFF086;
	s6 =	sadd.s32 @!p0 s3, s7;
	s7 =	simm.s32 @!p0 $0x108  }
0x21: {  	s3 =	sadd.s32 s3, s9;
	s6 =	sadd.s32 @!p0 $0x88, s6;
	s7 =	simm.s32 @p2 $0x1082  }
0x22: {  	[simem:s7], [sflag:s8] =	dma.local @!p0 [hbm:s6], $0xF7A  }
0x23: {  	s9 =	sor.u32 $0xD0000000, s2;
	s6 =	simm.s32 $0x108;
	_ =	swait.ge @!p0 [sflag:s8], $0x0  }
0x24: {  	s3 =	sadd.s32 $0x88, s3;
	s6 =	simm.s32 @!p1 $0x1082;
	[sflag:s4] =	ssyncset.s32 $0xFFFFF086  }
0x25: {  	[simem:s6], [sflag:s4] =	dma.local [hbm:s3], $0xF7A  }
0x26: {  	[smem:$0x3F8E] =	sst s1;
	(tag) =	ssettag s2;
	_ =	strace s9  }
0x27: {  	s1 =	sld [smem:$0x3F9E]  }
0x28: {  	s2 =	sld [smem:$0x3F9F]  }
0x29: {  	s4 =	sld [smem:$0x3FA1]  }
0x2a: {  	p0 =	seq.s32 s5, $0x0;
	s5 =	sld [smem:$0x3FA2]  }
0x2b: {  	s6 =	sld [smem:$0x3FA3]  }
0x2c: {  	s7 =	sld [smem:$0x3FA4]  }
0x2d: {  	s3 =	simm.s32 $0x108;
	s8 =	sld [smem:$0x3FA5]  }
0x2e: {  	s3 =	simm.s32 @!p0 $0x1082;
	s9 =	sld [smem:$0x3FA6]  }
0x2f: {  	lr =	sadd.s32 s0, s3;
	s0 =	sld [smem:$0x3F9D]  }
0x30: {  	s3 =	sld [smem:$0x3FA0]  }
0x31: {  	[smem:$0x3FA9] =	sst s10  }
0x32: {  	s10 =	sld [smem:$0x3FA7];
	_ =	sdelay $0x3  }
0x33: {  	p0 =	seq.s32 s10, $0x1;
	s10 =	sld [smem:$0x3FA9];
	_ =	sdelay $0x3  }
0x34: {  	[smem:$0x3FA9] =	sst s10  }
0x35: {  	s10 =	sld [smem:$0x3FA8];
	_ =	sdelay $0x3  }
0x36: {  	p1 =	seq.s32 s10, $0x1;
	s10 =	sld [smem:$0x3FA9];
	_ =	sdelay $0x3  }
0x37: {  	[smem:$0x3FA9] =	sst s10  }
0x38: {  	s10 =	sld [smem:$0x3FAA]  }
0x39: {  	_ = 	snop;
	(pc) =	sbr.ind lr, $3  }
0x3a: {  	_ = 	snop  }
0x3b: {  	_ = 	snop  }
0x3c: {  	p2 =	seq.s32 s10, $0x1;
	s10 =	sld [smem:$0x3FA9]  }
0x3d: {  	_ =	shalt  }
0x3e: {  	_ =	shalt  }
0x3f: {  	_ =	shalt  }
0x40: {  	_ =	shalt  }
0x41: {  	_ =	shalt  }
0x42: {  	_ =	shalt  }
0x43: {  	_ =	shalt  }
0x44: {  	_ =	shalt  }
0x45: {  	_ =	shalt  }
0x46: {  	_ =	shalt  }
0x47: {  	_ =	shalt  }
0x48: {  	_ =	shalt  }
0x49: {  	_ =	shalt  }
0x4a: {  	_ =	shalt  }
0x4b: {  	_ =	shalt  }
0x4c: {  	_ =	shalt  }
0x4d: {  	_ =	shalt  }
0x4e: {  	_ =	shalt  }
0x4f: {  	_ =	shalt  }
0x50: {  	_ =	shalt  }
0x51: {  	_ =	shalt  }
0x52: {  	_ =	shalt  }
0x53: {  	_ =	shalt  }
0x54: {  	_ =	shalt  }
0x55: {  	_ =	shalt  }
0x56: {  	_ =	shalt  }
0x57: {  	_ =	shalt  }
0x58: {  	_ =	shalt  }
0x59: {  	_ =	shalt  }
0x5a: {  	_ =	shalt  }
0x5b: {  	_ =	shalt  }
0x5c: {  	_ =	shalt  }
0x5d: {  	_ =	shalt  }
0x5e: {  	_ =	shalt  }
0x5f: {  	_ =	shalt  }
0x60: {  	_ =	shalt  }
0x61: {  	_ =	shalt  }
0x62: {  	_ =	shalt  }
0x63: {  	_ =	shalt  }
0x64: {  	_ =	shalt  }
0x65: {  	_ =	shalt  }
0x66: {  	_ =	shalt  }
0x67: {  	_ =	shalt  }
0x68: {  	_ =	shalt  }
0x69: {  	_ =	shalt  }
0x6a: {  	_ =	shalt  }
0x6b: {  	_ =	shalt  }
0x6c: {  	_ =	shalt  }
0x6d: {  	_ =	shalt  }
0x6e: {  	_ =	shalt  }
0x6f: {  	_ =	shalt  }
0x70: {  	_ =	shalt  }
0x71: {  	_ =	shalt  }
0x72: {  	_ =	shalt  }
0x73: {  	_ =	shalt  }
0x74: {  	_ =	shalt  }
0x75: {  	_ =	shalt  }
0x76: {  	_ =	shalt  }
0x77: {  	_ =	shalt  }
0x78: {  	_ =	shalt  }
0x79: {  	_ =	shalt  }
0x7a: {  	_ =	shalt  }
0x7b: {  	_ =	shalt  }
0x7c: {  	_ =	shalt  }
0x7d: {  	_ =	shalt  }
0x7e: {  	_ =	shalt  }
0x7f: {  	_ =	shalt  }
0x80: {  	_ =	shalt  }
0x81: {  	_ =	shalt  }
0x82: {  	_ =	shalt  }
0x83: {  	_ =	shalt  }
0x84: {  	_ =	shalt  }
0x85: {  	_ =	shalt  }
0x86: {  	_ =	shalt  }
0x87: {  	_ =	shalt  }
.Lfunc_end0:
.L_simem_size_0:
called_computation.2_lowered:
.L_overlay_start_0:
0x88: {  	s2 =	sld [smem:$0x3FD9]  }
0x89: {  	s3 =	sld [smem:$0x3FFE];
	_ =	sdelay $0x1  }
0x8a: {  	s1 =	srdreg.scid  }
0x8b: {  	s0 =	sand.u32 $0x1, s1  }
0x8c: {  	s16 =	sshll.u32 s0, $0xA;
	s2 =	sadd.s32 s3, s2  }
0x8d: {  	s2 =	sadd.s32 s2, s16  }
0x8e: {  	[smem:$0x3FB5] =	sst s2  }
0x8f: {  	_ = 	snop  }
0x90: {  	(tm) =	ssettm $0x1  }
0x91: {  	s17 =	sld [smem:$0x3FFB];
	_ =	sdelay $0x3  }
0x92: {  	_ =	strace s17  }
0x93: {  	s2 =	sld [smem:$0x3FFC];
	_ =	sdelay $0x3  }
0x94: {  	_ =	strace s2  }
0x95: {  	s2 =	sld [smem:$0x3FFD];
	_ =	sdelay $0x3  }
0x96: {  	_ =	strace s2  }
0x97: {  	_ =	strace $0x8FFFFFFF  }
0x98: {  	s18 =	sld [smem:$0x3FDB];
	_ =	sdelay $0x1  }
0x99: {  	s19 =	simm.s32 $_scs_section_size  }
0x9a: {  	s4 =	simm.s32 $_size__tile_overlayer_lowered;
	s5 =	simm.s32 $_tile_overlayer_lowered  }
0x9b: {  	s22 =	simm.s32 $0x1BFF;
	s21 =	sshll.u32 s5, $0x1;
	s2 =	sadd.s32 s19, s18  }
0x9c: {  	s6 =	simm.s32 $0x0;
	s20 =	sshll.u32 s4, $0x1;
	s4 =	sadd.s32 s21, s2  }
0x9d: {  	[timem:s6], [sflag:s22] =	dma.local [hbm:s4], s20  }
0x9e: {  	_ =	swait.ge [sflag:s22], s20  }
0x9f: {  	s3 =	ssub.s32 $0x0, s20;
	[sflag:s22] =	ssyncset.done $0x0  }
0xa0: {  	[sflag:s22] =	ssyncadd.s32 s3;
	_ =	sdelay $0x1  }
0xa1: {  	s23 =	simm.s32 $0x1B8B  }
0xa2: {  	_ =	swait.ge [sflag:s23], $0x1  }
0xa3: {  	[sflag:s23] =	ssyncset.done $0x0  }
0xa4: {  	s25 =	simm.s32 $0x1B8E;
	s24 =	sld [smem:$0x3FFE];
	[sflag:s23] =	ssyncadd.s32 $0xFFFFFFFF  }
0xa5: {  	s26 =	simm.s32 $execute0_lowered;
	[smem:$0x3FD2] =	sst s25  }
0xa6: {  	s4 =	sshll.u32 s26, $0x1;
	_ =	strace $0x8000004C;
	[dreg:$0x1] =	wrdreg $0xFFFFFFFF  }
0xa7: {  	s28 =	simm.s32 $_size_execute0_lowered;
	s2 =	sadd.s32 s2, s4;
	[dreg:$0x0] =	wrdreg $0x0  }
0xa8: {  	s4 =	sshll.u32 s28, $0x1;
	[dreg:$0x2] =	wrdreg s2  }
0xa9: {  	[dreg:$0x3] =	wrdreg s4  }
0xaa: {  	[dreg:$0x4] =	wrdreg $0xC0  }
0xab: {  	_ =	task [dreg:s6], $0x5FFFF  }
0xac: {  	[dreg:$0x1] =	wrdreg $0xFFFFFFFF  }
0xad: {  	[dreg:$0x0] =	wrdreg $0x60  }
0xae: {  	[dreg:$0x2] =	wrdreg s24  }
0xaf: {  	[dreg:$0x3] =	wrdreg $0x41000  }
0xb0: {  	[dreg:$0x4] =	wrdreg $0x9  }
0xb1: {  	_ =	task.clear_ibuf [dreg:s6], $0x5FFFF;
	_ =	strace $0x9000004C  }
0xb2: {  	s29 =	simm.s32 $0x9;
	_ =	strace $0x8000004E  }
0xb3: {  	_ =	swait.ge [sflag:s29], $0x1  }
0xb4: {  	[sflag:s29] =	ssyncadd.s32 $0xFFFFFFFF  }
0xb5: {  	_ =	strace $0x9000004E  }
0xb6: {  	_ =	sfence  }
0xb7: {  	s30 =	sld [smem:$0x0];
	_ =	sdelay $0x2  }
0xb8: {  	s31 =	sshll.u32 s1, $0xD;
	s1 =	sshrl.u32 s1, $0x2  }
0xb9: {  	s3 =	sand.u32 $0x4000, s31;
	s1 =	sadd.s32 s1, s30  }
0xba: {  	s0 =	sor.u32 s3, s0;
	s1 =	sshll.u32 s1, $0x11  }
0xbb: {  	s0 =	sor.u32 s1, s0  }
0xbc: {  	s0 =	sadd.s32 $0x8F2B, s0  }
0xbd: {  	[sflag:s0] =	ssyncadd.remote.s32 $0x1  }
0xbe: {  	_ =	sfence.sel $0xFFFF  }
0xbf: {  	[dreg:$0x0] =	wrdreg $0xFFFFFFFF;
	(pc) =	sbr.abs _section_cstart, $3  }
0xc0: {  	[dreg:$0x1] =	wrdreg $0xFFFFFFFF  }
0xc1: {  	_ =	task.clear_ibuf [dreg:s6], $0x2FFFF;
	_ =	strace $0x9FFFFFFF  }
0xc2: {  	(tm) =	ssettm $0x7FFFFFFF  }
0xc3: {  	_ =	shalt  }
tec
execute0_lowered:
.L_overlay_start_1:
0x0: {  	(tag) =	ssettag $0x1  }
0x1: {  	s5 =	rddreg [dreg:$0x0]  }
0x2: {  	s2 =	rddreg [dreg:$0x1]  }
0x3: {  	s0 =	rddreg [dreg:$0x2];
	s1 =	stileid.u32  }
0x4: {  	s4 =	srdreg.scid;
	s3 =	simm.s32 $0x0;
	s12 =	simm.s32 $0x2  }
0x5: {  	s13 =	simm.s32 $0x80;
	s14 =	simm.s32 $0x100;
	s6 =	smul.u32 $0xA00, s1  }
0x6: {  	s15 =	simm.s32 $0x1;
	s16 =	simm.s32 $0x0;
	s7 =	smul.u32 $0x13C00, s1  }
0x7: {  	s8 =	sand.u32 $0x1, s4;
	[smem:$0x7FF] =	sst s3;
	s11 =	smul.u32 $0x4F000, s1  }
0x8: {  	s4 =	sadd.s32 $0x21E00, s5;
	s31 =	sshll.u32 s1, $0x6;
	s9 =	smul.u32 $0x13C000, s8  }
0x9: {  	_ =	strace $0x8000004D;
	s28 =	ssub.s32 $0x2, s8;
	s8 =	smul.u32 $0x500, s8  }
0xa: {  	s10 =	sadd.s32 s6, s5;
	s26 =	sshrl.u32 s7, $0x3;
	s29 =	sshrl.u32 s28, $0x1  }
0xb: {  	s30 =	sshrl.u32 s11, $0x2;
	s7 =	sadd.s32 s7, s9;
	s6 =	sadd.s32 s26, s5  }
0xc: {  	s9 =	ssub.s32 s28, s29;
	s11 =	sadd.s32 s30, s2;
	s10 =	sadd.s32 s8, s10  }
0xd: {  	s7 =	sshrl.u32 s7, $0x3;
	s8 =	smax.u32 s9, $0x1;
	s9 =	sadd.s32 $0x4000, s10  }
0xe: {  	s10 =	sadd.s32 $0x17E00, s10;
	s11 =	sshrl.u32 s11, $0x3;
	s7 =	sadd.s32 s7, s5  }
0xf: {  	s5 =	sadd.s32 $0x49000, s6;
	s6 =	sor.u32 $0x1C02, s31;
	s7 =	sadd.s32 $0x70800, s7  }
.LBB2_1:
0x10: {  	[spmem:s11], [sflag:s6] =	dma.local [hbm:s5], $0x2780  }
0x11: {  	_ =	swait.ge [sflag:s12], $0x2780  }
0x12: {  	[sflag:s12] =	ssyncset.done $0x0  }
0x13: {  	[sflag:s12] =	ssyncadd.s32 $0xFFFFD880  }
0x14: {  	s17 =	sadd.s32 $0x0, s10;
	[bflag:$0x0] =	sbarrier.arrive $0xFFFF  }
0x15: {  	[tilespmem:s3], [sflag:$0x2] =	stream.linear.gather [hbm4b:s17+s3], $0x80, $0x38;
	[tilespmem:$0x17D00] =	vst v63  }
0x16: {  	_ =	swait.ge [sflag:s12], $0x80  }
0x17: {  	[sflag:s12] =	ssyncset.done $0x0  }
0x18: {  	s31 =	sadd.s32 $0x0, s9;
	[sflag:s12] =	ssyncadd.s32 $0xFFFFFF80  }
0x19: {  	[tilespmem:s13], [sflag:$0x2] =	stream.linear.gather [hbm4b:s31+s3], $0x80, $0x38;
	[tilespmem:$0x17D00] =	vst v63  }
0x1a: {  	_ =	swait.ge [sflag:s12], $0x80  }
0x1b: {  	[sflag:s12] =	ssyncset.done $0x0  }
0x1c: {  	[sflag:s12] =	ssyncadd.s32 $0xFFFFFF80  }
0x1d: {  	[tilespmem:s14], [sflag:$0x1] =	stream.indirect.gather [hbm4b:s4+s13], $0x80, s3, s13, $0xb8;
	[tilespmem:$0x17D00] =	vst v63  }
0x1e: {  	_ =	swait.ge [sflag:s15], $0x4000  }
0x1f: {  	[sflag:s15] =	ssyncset.done $0x0  }
0x20: {  	[sflag:s15] =	ssyncadd.s32 $0xFFFFC000  }
0x21: {  	[spmem:s2] =	stream.indirect.scatter.add.f32 [tilespmem:s14], [sflag:$0x2], $0x80, s13, s13, $0xb8;
	[tilespmem:$0x17D00] =	vst v63  }
0x22: {  	_ =	swait.ge [sflag:s12], $0x4000  }
0x23: {  	s18 =	simm.s32 $0x20;
	s17 =	simm.s32 $0x10;
	[sflag:s12] =	ssyncset.done $0x0  }
.LBB2_2:
0x24: {  	s19 =	sadd.s32 s17, s10  }
0x25: {  	[sflag:s12] =	ssyncadd.s32 $0xFFFFC000;
	s20 =	smov.u32 s18;
	s21 =	sadd.s32 $0x10, s18  }
0x26: {  	[tilespmem:s3], [sflag:$0x2] =	stream.linear.gather [hbm4b:s19+s3], $0x80, $0x38;
	[tilespmem:$0x17D00] =	vst v63  }
0x27: {  	p0 =	sne.s32 s18, $0x4F0;
	_ =	swait.ge [sflag:s12], $0x80  }
0x28: {  	[sflag:s12] =	ssyncset.done $0x0  }
0x29: {  	s18 =	sadd.s32 s17, s9;
	s17 =	smov.u32 s20;
	[sflag:s12] =	ssyncadd.s32 $0xFFFFFF80  }
0x2a: {  	[tilespmem:s13], [sflag:$0x2] =	stream.linear.gather [hbm4b:s18+s3], $0x80, $0x38;
	[tilespmem:$0x17D00] =	vst v63  }
0x2b: {  	_ =	swait.ge [sflag:s12], $0x80  }
0x2c: {  	[sflag:s12] =	ssyncset.done $0x0  }
0x2d: {  	[sflag:s12] =	ssyncadd.s32 $0xFFFFFF80  }
0x2e: {  	[tilespmem:s14], [sflag:$0x1] =	stream.indirect.gather [hbm4b:s4+s13], $0x80, s3, s13, $0xb8;
	[tilespmem:$0x17D00] =	vst v63  }
0x2f: {  	_ =	swait.ge [sflag:s15], $0x4000  }
.Ltmp0:
0x30: {  	[sflag:s15] =	ssyncset.done $0x0;
	(pc) =	sbr.rel @p0 .LBB2_2-.Ltmp0, $4  }
0x31: {  	[sflag:s15] =	ssyncadd.s32 $0xFFFFC000  }
0x32: {  	[spmem:s2] =	stream.indirect.scatter.add.f32 [tilespmem:s14], [sflag:$0x2], $0x80, s13, s13, $0xb8;
	[tilespmem:$0x17D00] =	vst v63  }
0x33: {  	_ =	swait.ge [sflag:s12], $0x4000  }
0x34: {  	s18 =	smov.u32 s21;
	[sflag:s12] =	ssyncset.done $0x0  }
0x35: {  	s18 =	sadd.s32 s17, s10;
	[sflag:s12] =	ssyncadd.s32 $0xFFFFC000  }
0x36: {  	[tilespmem:s3], [sflag:$0x2] =	stream.linear.gather [hbm4b:s18+s3], $0x80, $0x38;
	[tilespmem:$0x17D00] =	vst v63  }
0x37: {  	_ =	swait.ge [sflag:s12], $0x80  }
0x38: {  	[sflag:s12] =	ssyncset.done $0x0  }
0x39: {  	s31 =	sadd.s32 s17, s9;
	[sflag:s12] =	ssyncadd.s32 $0xFFFFFF80  }
0x3a: {  	[tilespmem:s13], [sflag:$0x2] =	stream.linear.gather [hbm4b:s31+s3], $0x80, $0x38;
	[tilespmem:$0x17D00] =	vst v63  }
0x3b: {  	_ =	swait.ge [sflag:s12], $0x80  }
0x3c: {  	[sflag:s12] =	ssyncset.done $0x0  }
0x3d: {  	[sflag:s12] =	ssyncadd.s32 $0xFFFFFF80  }
0x3e: {  	[tilespmem:s14], [sflag:$0x1] =	stream.indirect.gather [hbm4b:s4+s13], $0x80, s3, s13, $0xb8;
	[tilespmem:$0x17D00] =	vst v63  }
0x3f: {  	_ =	swait.ge [sflag:s15], $0x4000  }
0x40: {  	[sflag:s15] =	ssyncset.done $0x0  }
0x41: {  	[sflag:s15] =	ssyncadd.s32 $0xFFFFC000  }
0x42: {  	[spmem:s2] =	stream.indirect.scatter.add.f32 [tilespmem:s14], [sflag:$0x2], $0x80, s13, s13, $0xb8;
	[tilespmem:$0x17D00] =	vst v63  }
0x43: {  	_ =	swait.ge [sflag:s12], $0x4000  }
0x44: {  	s16 =	sadd.s32 $0x1, s16;
	[sflag:s12] =	ssyncset.done $0x0  }
0x45: {  	p0 =	sne.s32 s16, s8;
	[sflag:s12] =	ssyncadd.s32 $0xFFFFC000  }
.Ltmp1:
0x46: {  	[bflag:$0x0] =	sbarrier.arrive $0xFFFF;
	(pc) =	sbr.rel @p0 .LBB2_1-.Ltmp1, $4  }
0x47: {  	[hbm:s7], [sflag:s6] =	dma.local [spmem:s11], $0x2780  }
0x48: {  	_ =	swait.ge [sflag:s12], $0x2780  }
0x49: {  	[sflag:s12] =	ssyncset.done $0x0  }
0x4a: {  	[sflag:s12] =	ssyncadd.s32 $0xFFFFD880  }
0x4b: {  	_ =	sfence.sel $0x180000  }
0x4c: {  	[bflag:$0x0] =	sbarrier.arrive $0xFFFF  }
0x4d: {  	p0 =	sne.s32 s1, $0x0;
	_ =	strace $0x9000004D  }
0x4e: {  	s0 =	sadd.s32 @!p0 $0x100000, s0;
	[bflag:$0x2] =	sbarrier.arrive $0xFFFF  }
0x4f: {  	[sflag:s0] =	ssyncadd.tile.s32 @!p0 $0x1;
	_ =	shalt  }
.Lfunc_end2:
_tile_overlayer_lowered:
.L_overlay_start_2:
0x50: {  	(tag) =	ssettag $0x2  }
0x51: {  	s0 =	rddreg [dreg:$0x0];
	s2 =	stileid.u32  }
0x52: {  	s1 =	rddreg [dreg:$0x1];
	p0 =	sne.s32 s2, $0x0  }
0x53: {  	s3 =	rddreg [dreg:$0x2];
	[bflag:$0x3] =	sbarrier.arrive $0xFFFF;
	s2 =	simm.s32 @!p0 $0x1C02  }
0x54: {  	[timem:s3], [sflag:s2] =	dma.local @!p0 [hbm:s0], s1  }
0x55: {  	s0 =	simm.s32 @!p0 $0x2  }
0x56: {  	_ =	swait.ge @!p0 [sflag:s0], s1  }
0x57: {  	s1 =	ssub.s32 @!p0 $0x0, s1;
	[sflag:s0] =	ssyncset.done @!p0 $0x0  }
0x58: {  	[sflag:s0] =	ssyncadd.s32 @!p0 s1  }
0x59: {  	[bflag:$0x3] =	sbarrier.arrive $0xFFFF  }
0x5a: {  	_ =	shalt  }

// kernel: kernel.19.cloned.1.call-start
scs
__scs_entry_jumppad:
0x0: {  	(pc) =	sbr.rel $0x88, $3  }
0x1: {  	(tag) =	ssettag $0x0;
	lr =	simm.s32 $0x1  }
0x2: {  	[smem:$0x3F8E] =	sst lr;
	_ =	strace $0xD0000000  }
0x3: {  	_ = 	snop  }
0x4: {  	_ = 	snop  }
0x5: {  	_ = 	snop  }
0x6: {  	_ = 	snop  }
0x7: {  	_ = 	snop  }
__scs_overlays_trampoline_lowered:
0x8: {  	[smem:$0x3F9D] =	sst s0  }
0x9: {  	[smem:$0x3F9E] =	sst s1  }
0xa: {  	[smem:$0x3F9F] =	sst s2  }
0xb: {  	[smem:$0x3FA0] =	sst s3  }
0xc: {  	[smem:$0x3FA1] =	sst s4  }
0xd: {  	[smem:$0x3FA2] =	sst s5  }
0xe: {  	[smem:$0x3FA3] =	sst s6  }
0xf: {  	[smem:$0x3FA4] =	sst s7  }
0x10: {  	[smem:$0x3FA5] =	sst s8  }
0x11: {  	[smem:$0x3FA6] =	sst s9;
	s0 =	simm.s32 @!p0 $0x0  }
0x12: {  	s1 =	sld [smem:$0x3F8C];
	s0 =	simm.s32 @p0 $0x1  }
0x13: {  	[smem:$0x3FA7] =	sst s0;
	s0 =	simm.s32 @!p1 $0x0  }
0x14: {  	s2 =	sld [smem:$0x3F8B];
	s0 =	simm.s32 @p1 $0x1  }
0x15: {  	[smem:$0x3FA8] =	sst s0;
	s0 =	simm.s32 @!p2 $0x0  }
0x16: {  	s3 =	sld [smem:$0x3FDB];
	s0 =	simm.s32 @p2 $0x1  }
0x17: {  	s4 =	simm.s32 $0x1BF5;
	[smem:$0x3FAA] =	sst s0  }
0x18: {  	s0 =	sld [smem:$0x3F8D];
	_ =	swait.ge [sflag:s4], $0x0  }
0x19: {  	s7 =	sld [smem:$0x3F8E]  }
0x1a: {  	s8 =	sadd.s32 $0xFFFFE003, lr  }
0x1b: {  	s9 =	sadd.s32 $0xFFFFFEF7, lr;
	s5 =	simm.s32 $0xFFFFFFFF;
	p2 =	slt.u32 s8, $0xFFFFF086  }
0x1c: {  	p1 =	slt.u32 s9, $0xF7A;
	s5 =	simm.s32 @!p2 $0x0  }
0x1d: {  	s5 =	simm.s32 @p1 $0x1;
	p0 =	seq.s32 s7, s2  }
0x1e: {  	s7 =	smul.u32 @!p0 $0xF7A, s2;
	p2 =	seq.s32 @!p0 s5, $0x0  }
0x1f: {  	s9 =	smul.u32 $0xF7A, s1;
	s8 =	simm.s32 @!p0 $0x1BF5;
	p2 =	por !p2, p0  }
0x20: {  	[sflag:s8] =	ssyncset.s32 @!p0 $0xFFFFF086;
	s6 =	sadd.s32 @!p0 s3, s7;
	s7 =	simm.s32 @!p0 $0x108  }
0x21: {  	s3 =	sadd.s32 s3, s9;
	s6 =	sadd.s32 @!p0 $0x88, s6;
	s7 =	simm.s32 @p2 $0x1082  }
0x22: {  	[simem:s7], [sflag:s8] =	dma.local @!p0 [hbm:s6], $0xF7A  }
0x23: {  	s9 =	sor.u32 $0xD0000000, s2;
	s6 =	simm.s32 $0x108;
	_ =	swait.ge @!p0 [sflag:s8], $0x0  }
0x24: {  	s3 =	sadd.s32 $0x88, s3;
	s6 =	simm.s32 @!p1 $0x1082;
	[sflag:s4] =	ssyncset.s32 $0xFFFFF086  }
0x25: {  	[simem:s6], [sflag:s4] =	dma.local [hbm:s3], $0xF7A  }
0x26: {  	[smem:$0x3F8E] =	sst s1;
	(tag) =	ssettag s2;
	_ =	strace s9  }
0x27: {  	s1 =	sld [smem:$0x3F9E]  }
0x28: {  	s2 =	sld [smem:$0x3F9F]  }
0x29: {  	s4 =	sld [smem:$0x3FA1]  }
0x2a: {  	p0 =	seq.s32 s5, $0x0;
	s5 =	sld [smem:$0x3FA2]  }
0x2b: {  	s6 =	sld [smem:$0x3FA3]  }
0x2c: {  	s7 =	sld [smem:$0x3FA4]  }
0x2d: {  	s3 =	simm.s32 $0x108;
	s8 =	sld [smem:$0x3FA5]  }
0x2e: {  	s3 =	simm.s32 @!p0 $0x1082;
	s9 =	sld [smem:$0x3FA6]  }
0x2f: {  	lr =	sadd.s32 s0, s3;
	s0 =	sld [smem:$0x3F9D]  }
0x30: {  	s3 =	sld [smem:$0x3FA0]  }
0x31: {  	[smem:$0x3FA9] =	sst s10  }
0x32: {  	s10 =	sld [smem:$0x3FA7];
	_ =	sdelay $0x3  }
0x33: {  	p0 =	seq.s32 s10, $0x1;
	s10 =	sld [smem:$0x3FA9];
	_ =	sdelay $0x3  }
0x34: {  	[smem:$0x3FA9] =	sst s10  }
0x35: {  	s10 =	sld [smem:$0x3FA8];
	_ =	sdelay $0x3  }
0x36: {  	p1 =	seq.s32 s10, $0x1;
	s10 =	sld [smem:$0x3FA9];
	_ =	sdelay $0x3  }
0x37: {  	[smem:$0x3FA9] =	sst s10  }
0x38: {  	s10 =	sld [smem:$0x3FAA]  }
0x39: {  	_ = 	snop;
	(pc) =	sbr.ind lr, $3  }
0x3a: {  	_ = 	snop  }
0x3b: {  	_ = 	snop  }
0x3c: {  	p2 =	seq.s32 s10, $0x1;
	s10 =	sld [smem:$0x3FA9]  }
0x3d: {  	_ =	shalt  }
0x3e: {  	_ =	shalt  }
0x3f: {  	_ =	shalt  }
0x40: {  	_ =	shalt  }
0x41: {  	_ =	shalt  }
0x42: {  	_ =	shalt  }
0x43: {  	_ =	shalt  }
0x44: {  	_ =	shalt  }
0x45: {  	_ =	shalt  }
0x46: {  	_ =	shalt  }
0x47: {  	_ =	shalt  }
0x48: {  	_ =	shalt  }
0x49: {  	_ =	shalt  }
0x4a: {  	_ =	shalt  }
0x4b: {  	_ =	shalt  }
0x4c: {  	_ =	shalt  }
0x4d: {  	_ =	shalt  }
0x4e: {  	_ =	shalt  }
0x4f: {  	_ =	shalt  }
0x50: {  	_ =	shalt  }
0x51: {  	_ =	shalt  }
0x52: {  	_ =	shalt  }
0x53: {  	_ =	shalt  }
0x54: {  	_ =	shalt  }
0x55: {  	_ =	shalt  }
0x56: {  	_ =	shalt  }
0x57: {  	_ =	shalt  }
0x58: {  	_ =	shalt  }
0x59: {  	_ =	shalt  }
0x5a: {  	_ =	shalt  }
0x5b: {  	_ =	shalt  }
0x5c: {  	_ =	shalt  }
0x5d: {  	_ =	shalt  }
0x5e: {  	_ =	shalt  }
0x5f: {  	_ =	shalt  }
0x60: {  	_ =	shalt  }
0x61: {  	_ =	shalt  }
0x62: {  	_ =	shalt  }
0x63: {  	_ =	shalt  }
0x64: {  	_ =	shalt  }
0x65: {  	_ =	shalt  }
0x66: {  	_ =	shalt  }
0x67: {  	_ =	shalt  }
0x68: {  	_ =	shalt  }
0x69: {  	_ =	shalt  }
0x6a: {  	_ =	shalt  }
0x6b: {  	_ =	shalt  }
0x6c: {  	_ =	shalt  }
0x6d: {  	_ =	shalt  }
0x6e: {  	_ =	shalt  }
0x6f: {  	_ =	shalt  }
0x70: {  	_ =	shalt  }
0x71: {  	_ =	shalt  }
0x72: {  	_ =	shalt  }
0x73: {  	_ =	shalt  }
0x74: {  	_ =	shalt  }
0x75: {  	_ =	shalt  }
0x76: {  	_ =	shalt  }
0x77: {  	_ =	shalt  }
0x78: {  	_ =	shalt  }
0x79: {  	_ =	shalt  }
0x7a: {  	_ =	shalt  }
0x7b: {  	_ =	shalt  }
0x7c: {  	_ =	shalt  }
0x7d: {  	_ =	shalt  }
0x7e: {  	_ =	shalt  }
0x7f: {  	_ =	shalt  }
0x80: {  	_ =	shalt  }
0x81: {  	_ =	shalt  }
0x82: {  	_ =	shalt  }
0x83: {  	_ =	shalt  }
0x84: {  	_ =	shalt  }
0x85: {  	_ =	shalt  }
0x86: {  	_ =	shalt  }
0x87: {  	_ =	shalt  }
.Lfunc_end0:
.L_simem_size_0:
called_computation.3_lowered:
.L_overlay_start_0:
0x88: {  	s2 =	sld [smem:$0x3FD9]  }
0x89: {  	s3 =	sld [smem:$0x3FFE];
	_ =	sdelay $0x1  }
0x8a: {  	s1 =	srdreg.scid  }
0x8b: {  	s0 =	sand.u32 $0x1, s1  }
0x8c: {  	s16 =	sshll.u32 s0, $0xA;
	s2 =	sadd.s32 s3, s2  }
0x8d: {  	s2 =	sadd.s32 s2, s16  }
0x8e: {  	[smem:$0x3FB5] =	sst s2  }
0x8f: {  	_ = 	snop  }
0x90: {  	(tm) =	ssettm $0x1  }
0x91: {  	s17 =	sld [smem:$0x3FFB];
	_ =	sdelay $0x3  }
0x92: {  	_ =	strace s17  }
0x93: {  	s2 =	sld [smem:$0x3FFC];
	_ =	sdelay $0x3  }
0x94: {  	_ =	strace s2  }
0x95: {  	s2 =	sld [smem:$0x3FFD];
	_ =	sdelay $0x3  }
0x96: {  	_ =	strace s2  }
0x97: {  	_ =	strace $0x8FFFFFFF  }
0x98: {  	s18 =	sld [smem:$0x3FDB];
	_ =	sdelay $0x1  }
0x99: {  	s19 =	simm.s32 $_scs_section_size  }
0x9a: {  	s4 =	simm.s32 $_size__tile_overlayer_lowered;
	s5 =	simm.s32 $_tile_overlayer_lowered  }
0x9b: {  	s22 =	simm.s32 $0x1BFF;
	s21 =	sshll.u32 s5, $0x1;
	s2 =	sadd.s32 s19, s18  }
0x9c: {  	s6 =	simm.s32 $0x0;
	s20 =	sshll.u32 s4, $0x1;
	s4 =	sadd.s32 s21, s2  }
0x9d: {  	[timem:s6], [sflag:s22] =	dma.local [hbm:s4], s20  }
0x9e: {  	_ =	swait.ge [sflag:s22], s20  }
0x9f: {  	s3 =	ssub.s32 $0x0, s20;
	[sflag:s22] =	ssyncset.done $0x0  }
0xa0: {  	[sflag:s22] =	ssyncadd.s32 s3;
	_ =	sdelay $0x1  }
0xa1: {  	s23 =	simm.s32 $0x1B8B  }
0xa2: {  	_ =	swait.ge [sflag:s23], $0x1  }
0xa3: {  	[sflag:s23] =	ssyncset.done $0x0  }
0xa4: {  	s25 =	simm.s32 $0x1B8E;
	s24 =	sld [smem:$0x3FFE];
	[sflag:s23] =	ssyncadd.s32 $0xFFFFFFFF  }
0xa5: {  	s26 =	simm.s32 $execute0_lowered;
	[smem:$0x3FD2] =	sst s25  }
0xa6: {  	s4 =	sshll.u32 s26, $0x1;
	_ =	strace $0x8000004F;
	[dreg:$0x1] =	wrdreg $0xFFFFFFFF  }
0xa7: {  	s28 =	simm.s32 $_size_execute0_lowered;
	s2 =	sadd.s32 s2, s4;
	[dreg:$0x0] =	wrdreg $0x0  }
0xa8: {  	s4 =	sshll.u32 s28, $0x1;
	[dreg:$0x2] =	wrdreg s2  }
0xa9: {  	[dreg:$0x3] =	wrdreg s4  }
0xaa: {  	[dreg:$0x4] =	wrdreg $0xC0  }
0xab: {  	_ =	task [dreg:s6], $0x5FFFF  }
0xac: {  	[dreg:$0x1] =	wrdreg $0xFFFFFFFF  }
0xad: {  	[dreg:$0x0] =	wrdreg $0x60  }
0xae: {  	[dreg:$0x2] =	wrdreg s24  }
0xaf: {  	[dreg:$0x3] =	wrdreg $0x41000  }
0xb0: {  	[dreg:$0x4] =	wrdreg $0x9  }
0xb1: {  	_ =	task.clear_ibuf [dreg:s6], $0x5FFFF;
	_ =	strace $0x9000004F  }
0xb2: {  	s29 =	simm.s32 $0x9;
	_ =	strace $0x80000051  }
0xb3: {  	_ =	swait.ge [sflag:s29], $0x1  }
0xb4: {  	[sflag:s29] =	ssyncadd.s32 $0xFFFFFFFF  }
0xb5: {  	_ =	strace $0x90000051  }
0xb6: {  	_ =	sfence  }
0xb7: {  	s30 =	sld [smem:$0x0];
	_ =	sdelay $0x2  }
0xb8: {  	s31 =	sshll.u32 s1, $0xD;
	s1 =	sshrl.u32 s1, $0x2  }
0xb9: {  	s3 =	sand.u32 $0x4000, s31;
	s1 =	sadd.s32 s1, s30  }
0xba: {  	s0 =	sor.u32 s3, s0;
	s1 =	sshll.u32 s1, $0x11  }
0xbb: {  	s0 =	sor.u32 s1, s0  }
0xbc: {  	s0 =	sadd.s32 $0x8F2B, s0  }
0xbd: {  	[sflag:s0] =	ssyncadd.remote.s32 $0x1  }
0xbe: {  	_ =	sfence.sel $0xFFFF  }
0xbf: {  	[dreg:$0x0] =	wrdreg $0xFFFFFFFF;
	(pc) =	sbr.abs _section_cstart, $3  }
0xc0: {  	[dreg:$0x1] =	wrdreg $0xFFFFFFFF  }
0xc1: {  	_ =	task.clear_ibuf [dreg:s6], $0x2FFFF;
	_ =	strace $0x9FFFFFFF  }
0xc2: {  	(tm) =	ssettm $0x7FFFFFFF  }
0xc3: {  	_ =	shalt  }
tec
execute0_lowered:
.L_overlay_start_1:
0x0: {  	(tag) =	ssettag $0x1  }
0x1: {  	s5 =	rddreg [dreg:$0x0]  }
0x2: {  	s2 =	rddreg [dreg:$0x1]  }
0x3: {  	s0 =	rddreg [dreg:$0x2];
	s1 =	stileid.u32  }
0x4: {  	s4 =	srdreg.scid;
	s3 =	simm.s32 $0x0;
	s12 =	simm.s32 $0x2  }
0x5: {  	s13 =	simm.s32 $0x80;
	s14 =	simm.s32 $0x100;
	s6 =	smul.u32 $0xA00, s1  }
0x6: {  	s15 =	simm.s32 $0x1;
	s16 =	simm.s32 $0x0;
	s7 =	smul.u32 $0x13C00, s1  }
0x7: {  	s8 =	sand.u32 $0x1, s4;
	[smem:$0x7FF] =	sst s3;
	s11 =	smul.u32 $0x4F000, s1  }
0x8: {  	s4 =	sadd.s32 $0x21E00, s5;
	s31 =	sshll.u32 s1, $0x6;
	s9 =	smul.u32 $0x13C000, s8  }
0x9: {  	_ =	strace $0x80000050;
	s28 =	ssub.s32 $0x2, s8;
	s8 =	smul.u32 $0x500, s8  }
0xa: {  	s10 =	sadd.s32 s6, s5;
	s26 =	sshrl.u32 s7, $0x3;
	s29 =	sshrl.u32 s28, $0x1  }
0xb: {  	s30 =	sshrl.u32 s11, $0x2;
	s7 =	sadd.s32 s7, s9;
	s6 =	sadd.s32 s26, s5  }
0xc: {  	s9 =	ssub.s32 s28, s29;
	s11 =	sadd.s32 s30, s2;
	s10 =	sadd.s32 s8, s10  }
0xd: {  	s7 =	sshrl.u32 s7, $0x3;
	s8 =	smax.u32 s9, $0x1;
	s9 =	sadd.s32 $0x4000, s10  }
0xe: {  	s10 =	sadd.s32 $0x17E00, s10;
	s11 =	sshrl.u32 s11, $0x3;
	s7 =	sadd.s32 s7, s5  }
0xf: {  	s5 =	sadd.s32 $0x49000, s6;
	s6 =	sor.u32 $0x1C02, s31;
	s7 =	sadd.s32 $0x70800, s7  }
.LBB2_1:
0x10: {  	[spmem:s11], [sflag:s6] =	dma.local [hbm:s5], $0x2780  }
0x11: {  	_ =	swait.ge [sflag:s12], $0x2780  }
0x12: {  	[sflag:s12] =	ssyncset.done $0x0  }
0x13: {  	[sflag:s12] =	ssyncadd.s32 $0xFFFFD880  }
0x14: {  	s17 =	sadd.s32 $0x0, s10;
	[bflag:$0x0] =	sbarrier.arrive $0xFFFF  }
0x15: {  	[tilespmem:s3], [sflag:$0x2] =	stream.linear.gather [hbm4b:s17+s3], $0x80, $0x38;
	[tilespmem:$0x17D00] =	vst v63  }
0x16: {  	_ =	swait.ge [sflag:s12], $0x80  }
0x17: {  	[sflag:s12] =	ssyncset.done $0x0  }
0x18: {  	s31 =	sadd.s32 $0x0, s9;
	[sflag:s12] =	ssyncadd.s32 $0xFFFFFF80  }
0x19: {  	[tilespmem:s13], [sflag:$0x2] =	stream.linear.gather [hbm4b:s31+s3], $0x80, $0x38;
	[tilespmem:$0x17D00] =	vst v63  }
0x1a: {  	_ =	swait.ge [sflag:s12], $0x80  }
0x1b: {  	[sflag:s12] =	ssyncset.done $0x0  }
0x1c: {  	[sflag:s12] =	ssyncadd.s32 $0xFFFFFF80  }
0x1d: {  	[tilespmem:s14], [sflag:$0x1] =	stream.indirect.gather [hbm4b:s4+s13], $0x80, s3, s13, $0xb8;
	[tilespmem:$0x17D00] =	vst v63  }
0x1e: {  	_ =	swait.ge [sflag:s15], $0x4000  }
0x1f: {  	[sflag:s15] =	ssyncset.done $0x0  }
0x20: {  	[sflag:s15] =	ssyncadd.s32 $0xFFFFC000  }
0x21: {  	[spmem:s2] =	stream.indirect.scatter.add.f32 [tilespmem:s14], [sflag:$0x2], $0x80, s13, s13, $0xb8;
	[tilespmem:$0x17D00] =	vst v63  }
0x22: {  	_ =	swait.ge [sflag:s12], $0x4000  }
0x23: {  	s18 =	simm.s32 $0x20;
	s17 =	simm.s32 $0x10;
	[sflag:s12] =	ssyncset.done $0x0  }
.LBB2_2:
0x24: {  	s19 =	sadd.s32 s17, s10  }
0x25: {  	[sflag:s12] =	ssyncadd.s32 $0xFFFFC000;
	s20 =	smov.u32 s18;
	s21 =	sadd.s32 $0x10, s18  }
0x26: {  	[tilespmem:s3], [sflag:$0x2] =	stream.linear.gather [hbm4b:s19+s3], $0x80, $0x38;
	[tilespmem:$0x17D00] =	vst v63  }
0x27: {  	p0 =	sne.s32 s18, $0x4F0;
	_ =	swait.ge [sflag:s12], $0x80  }
0x28: {  	[sflag:s12] =	ssyncset.done $0x0  }
0x29: {  	s18 =	sadd.s32 s17, s9;
	s17 =	smov.u32 s20;
	[sflag:s12] =	ssyncadd.s32 $0xFFFFFF80  }
0x2a: {  	[tilespmem:s13], [sflag:$0x2] =	stream.linear.gather [hbm4b:s18+s3], $0x80, $0x38;
	[tilespmem:$0x17D00] =	vst v63  }
0x2b: {  	_ =	swait.ge [sflag:s12], $0x80  }
0x2c: {  	[sflag:s12] =	ssyncset.done $0x0  }
0x2d: {  	[sflag:s12] =	ssyncadd.s32 $0xFFFFFF80  }
0x2e: {  	[tilespmem:s14], [sflag:$0x1] =	stream.indirect.gather [hbm4b:s4+s13], $0x80, s3, s13, $0xb8;
	[tilespmem:$0x17D00] =	vst v63  }
0x2f: {  	_ =	swait.ge [sflag:s15], $0x4000  }
.Ltmp0:
0x30: {  	[sflag:s15] =	ssyncset.done $0x0;
	(pc) =	sbr.rel @p0 .LBB2_2-.Ltmp0, $4  }
0x31: {  	[sflag:s15] =	ssyncadd.s32 $0xFFFFC000  }
0x32: {  	[spmem:s2] =	stream.indirect.scatter.add.f32 [tilespmem:s14], [sflag:$0x2], $0x80, s13, s13, $0xb8;
	[tilespmem:$0x17D00] =	vst v63  }
0x33: {  	_ =	swait.ge [sflag:s12], $0x4000  }
0x34: {  	s18 =	smov.u32 s21;
	[sflag:s12] =	ssyncset.done $0x0  }
0x35: {  	s18 =	sadd.s32 s17, s10;
	[sflag:s12] =	ssyncadd.s32 $0xFFFFC000  }
0x36: {  	[tilespmem:s3], [sflag:$0x2] =	stream.linear.gather [hbm4b:s18+s3], $0x80, $0x38;
	[tilespmem:$0x17D00] =	vst v63  }
0x37: {  	_ =	swait.ge [sflag:s12], $0x80  }
0x38: {  	[sflag:s12] =	ssyncset.done $0x0  }
0x39: {  	s31 =	sadd.s32 s17, s9;
	[sflag:s12] =	ssyncadd.s32 $0xFFFFFF80  }
0x3a: {  	[tilespmem:s13], [sflag:$0x2] =	stream.linear.gather [hbm4b:s31+s3], $0x80, $0x38;
	[tilespmem:$0x17D00] =	vst v63  }
0x3b: {  	_ =	swait.ge [sflag:s12], $0x80  }
0x3c: {  	[sflag:s12] =	ssyncset.done $0x0  }
0x3d: {  	[sflag:s12] =	ssyncadd.s32 $0xFFFFFF80  }
0x3e: {  	[tilespmem:s14], [sflag:$0x1] =	stream.indirect.gather [hbm4b:s4+s13], $0x80, s3, s13, $0xb8;
	[tilespmem:$0x17D00] =	vst v63  }
0x3f: {  	_ =	swait.ge [sflag:s15], $0x4000  }
0x40: {  	[sflag:s15] =	ssyncset.done $0x0  }
0x41: {  	[sflag:s15] =	ssyncadd.s32 $0xFFFFC000  }
0x42: {  	[spmem:s2] =	stream.indirect.scatter.add.f32 [tilespmem:s14], [sflag:$0x2], $0x80, s13, s13, $0xb8;
	[tilespmem:$0x17D00] =	vst v63  }
0x43: {  	_ =	swait.ge [sflag:s12], $0x4000  }
0x44: {  	s16 =	sadd.s32 $0x1, s16;
	[sflag:s12] =	ssyncset.done $0x0  }
0x45: {  	p0 =	sne.s32 s16, s8;
	[sflag:s12] =	ssyncadd.s32 $0xFFFFC000  }
.Ltmp1:
0x46: {  	[bflag:$0x0] =	sbarrier.arrive $0xFFFF;
	(pc) =	sbr.rel @p0 .LBB2_1-.Ltmp1, $4  }
0x47: {  	[hbm:s7], [sflag:s6] =	dma.local [spmem:s11], $0x2780  }
0x48: {  	_ =	swait.ge [sflag:s12], $0x2780  }
0x49: {  	[sflag:s12] =	ssyncset.done $0x0  }
0x4a: {  	[sflag:s12] =	ssyncadd.s32 $0xFFFFD880  }
0x4b: {  	_ =	sfence.sel $0x180000  }
0x4c: {  	[bflag:$0x0] =	sbarrier.arrive $0xFFFF  }
0x4d: {  	p0 =	sne.s32 s1, $0x0;
	_ =	strace $0x90000050  }
0x4e: {  	s0 =	sadd.s32 @!p0 $0x100000, s0;
	[bflag:$0x2] =	sbarrier.arrive $0xFFFF  }
0x4f: {  	[sflag:s0] =	ssyncadd.tile.s32 @!p0 $0x1;
	_ =	shalt  }
.Lfunc_end2:
_tile_overlayer_lowered:
.L_overlay_start_2:
0x50: {  	(tag) =	ssettag $0x2  }
0x51: {  	s0 =	rddreg [dreg:$0x0];
	s2 =	stileid.u32  }
0x52: {  	s1 =	rddreg [dreg:$0x1];
	p0 =	sne.s32 s2, $0x0  }
0x53: {  	s3 =	rddreg [dreg:$0x2];
	[bflag:$0x3] =	sbarrier.arrive $0xFFFF;
	s2 =	simm.s32 @!p0 $0x1C02  }
0x54: {  	[timem:s3], [sflag:s2] =	dma.local @!p0 [hbm:s0], s1  }
0x55: {  	s0 =	simm.s32 @!p0 $0x2  }
0x56: {  	_ =	swait.ge @!p0 [sflag:s0], s1  }
0x57: {  	s1 =	ssub.s32 @!p0 $0x0, s1;
	[sflag:s0] =	ssyncset.done @!p0 $0x0  }
0x58: {  	[sflag:s0] =	ssyncadd.s32 @!p0 s1  }
0x59: {  	[bflag:$0x3] =	sbarrier.arrive $0xFFFF  }
0x5a: {  	_ =	shalt  }

</sc_bundles>
